<compile_context>
chip_gen: v7x
topology: tpu7x:2x2x1
jax: 0.10.2.dev20260603
libtpu: 0.0.44.dev20260713+nightly
codegen_flags: <defaults>
</compile_context>

<pallas_src>
import functools

import jax
import jax.numpy as jnp
from jax import lax
from jax.experimental import pallas as pl
from jax.experimental.pallas import tpu as pltpu
from jax.experimental.pallas import tpu_sc as plsc

N_ = 10000
E_ = 320000
D_ = 128
M_ = 32
W_ = 48

NC = 2
NS = 16
NW = NC * NS
EPW = E_ // NW
CH = 80
NCH = EPW // CH
NBUF = 12
LOOK = NBUF // 2
RPS = 624
REM = N_ - RPS * NS

BN = 1000


def _sc_aggregate(edge4, p_aug, zeros):
    mesh = plsc.VectorSubcoreMesh(core_axis_name="c", subcore_axis_name="s")

    @functools.partial(
        pl.kernel,
        mesh=mesh,
        compiler_params=pltpu.CompilerParams(use_tc_tiling_on_sc=False),
        out_type=jax.ShapeDtypeStruct((NC * N_, W_), jnp.float32),
        scratch_types=(
            [
                pltpu.VMEM((NCH, CH), jnp.int32),
                pltpu.VMEM((NCH, CH), jnp.int32),
            ]
            + [pltpu.VMEM((CH, W_), jnp.float32)] * NBUF
            + [pltpu.VMEM_SHARED((N_, W_), jnp.float32)]
            + [pltpu.SemaphoreType.DMA] * (2 * NBUF)
        ),
    )
    def body(edge_hbm, p_hbm, z_hbm, out_hbm, src_all, dst_all,
             *rows_and_more):
        rows_b = list(rows_and_more[0:NBUF])
        acc_sh = rows_and_more[NBUF]
        sems = rows_and_more[NBUF + 1:]
        gsem = sems[0:NBUF]
        ssem = sems[NBUF:2 * NBUF]

        c = lax.axis_index("c")
        s = lax.axis_index("s")
        wid = s * NC + c

        pltpu.sync_copy(edge_hbm.at[0, wid], src_all)
        pltpu.sync_copy(edge_hbm.at[1, wid], dst_all)

        def g_start(i, b):
            pltpu.async_copy(p_hbm.at[src_all.at[i]], rows_b[b], gsem[b])

        def g_wait(i, b):
            pltpu.make_async_copy(p_hbm.at[src_all.at[i]], rows_b[b],
                                  gsem[b]).wait()

        def s_start(i, b):
            pltpu.async_copy(rows_b[b], acc_sh.at[dst_all.at[i]], ssem[b],
                             add=True)

        def s_wait(i, b):
            pltpu.make_async_copy(rows_b[b], acc_sh.at[dst_all.at[i]],
                                  ssem[b]).wait()

        for k in range(LOOK):
            g_start(k, k)

        pltpu.sync_copy(z_hbm.at[pl.ds(0, RPS)], acc_sh.at[pl.ds(s * RPS, RPS)])

        @pl.when(s == NS - 1)
        def _():
            pltpu.sync_copy(z_hbm.at[pl.ds(0, REM)],
                            acc_sh.at[pl.ds(NS * RPS, REM)])

        plsc.subcore_barrier()

        def round_(j, carry):
            for p in range(NBUF):
                i = NBUF * j + p
                q = (p + LOOK) % NBUF
                g_wait(i, p)
                s_start(i, p)
                if p < LOOK:
                    @pl.when(j > 0)
                    def _():
                        s_wait(i - LOOK, q)
                else:
                    s_wait(i - LOOK, q)

                @pl.when(i + LOOK < NCH)
                def _():
                    g_start(i + LOOK, q)
            return carry

        J = NCH // NBUF
        lax.fori_loop(0, J, round_, 0)

        waited = set(range(0, max(J * NBUF - LOOK, 0)))

        def ep_wait(ch):
            if ch >= 0 and ch not in waited:
                s_wait(ch, ch % NBUF)
                waited.add(ch)

        for k in range(J * NBUF, NCH):
            b = k % NBUF
            if k - LOOK >= J * NBUF:
                ep_wait(k - NBUF)
                g_start(k, b)
            g_wait(k, b)
            s_start(k, b)
            ep_wait(k - LOOK)
        for ch in range(max(J * NBUF - LOOK, 0), NCH):
            ep_wait(ch)

        plsc.subcore_barrier()

        out_base = c * N_
        pltpu.sync_copy(acc_sh.at[pl.ds(s * RPS, RPS)],
                        out_hbm.at[pl.ds(out_base + s * RPS, RPS)])

        @pl.when(s == NS - 1)
        def _():
            pltpu.sync_copy(acc_sh.at[pl.ds(NS * RPS, REM)],
                            out_hbm.at[pl.ds(out_base + NS * RPS, REM)])

    return body(edge4, p_aug, zeros)


def _stage_a(x, h, W_msg, b_msg):

    def body(x_ref, h_ref, w1_ref, w2_ref, b_ref, out_ref):
        m = jnp.dot(x_ref[...], w1_ref[...], preferred_element_type=jnp.float32)
        m = m + jnp.dot(h_ref[...], w2_ref[...], preferred_element_type=jnp.float32)
        m = m + b_ref[...]
        one = jnp.ones((BN, 1), jnp.float32)
        pad = jnp.zeros((BN, W_ - M_ - 1), jnp.float32)
        out_ref[...] = jnp.concatenate([m, one, pad], axis=1)

    return pl.pallas_call(
        body,
        grid=(N_ // BN,),
        in_specs=[
            pl.BlockSpec((BN, D_), lambda i: (i, 0)),
            pl.BlockSpec((BN, D_), lambda i: (i, 0)),
            pl.BlockSpec((D_, M_), lambda i: (0, 0)),
            pl.BlockSpec((D_, M_), lambda i: (1, 0)),
            pl.BlockSpec((M_,), lambda i: (0,)),
        ],
        out_specs=pl.BlockSpec((BN, W_), lambda i: (i, 0)),
        out_shape=jax.ShapeDtypeStruct((N_, W_), jnp.float32),
    )(x, h, W_msg, W_msg, b_msg)


def _stage_b(x, h, parts, W_ih, W_hh, b_ih, b_hh):

    def body(x_ref, h_ref, a0_ref, a1_ref, wx_ref, wc_ref, whh_ref,
             bih_ref, bhh_ref, out_ref):
        acc = a0_ref[...] + a1_ref[...]
        deg = acc[:, M_:M_ + 1]
        cmsg = acc[:, :M_] / jnp.maximum(deg, 1.0)
        gi = jnp.dot(x_ref[...], wx_ref[...], preferred_element_type=jnp.float32)
        gi = gi + jnp.dot(cmsg, wc_ref[...], preferred_element_type=jnp.float32)
        gi = gi + bih_ref[...]
        gh = jnp.dot(h_ref[...], whh_ref[...], preferred_element_type=jnp.float32)
        gh = gh + bhh_ref[...]
        hprev = h_ref[...]
        r = jax.nn.sigmoid(gi[:, :D_] + gh[:, :D_])
        z = jax.nn.sigmoid(gi[:, D_:2 * D_] + gh[:, D_:2 * D_])
        n = jnp.tanh(gi[:, 2 * D_:] + r * gh[:, 2 * D_:])
        out_ref[...] = (1.0 - z) * n + z * hprev

    def wc_index(i):
        return (D_ // M_, 0)

    return pl.pallas_call(
        body,
        grid=(N_ // BN,),
        in_specs=[
            pl.BlockSpec((BN, D_), lambda i: (i, 0)),
            pl.BlockSpec((BN, D_), lambda i: (i, 0)),
            pl.BlockSpec((BN, W_), lambda i: (i, 0)),
            pl.BlockSpec((BN, W_), lambda i: (i + N_ // BN, 0)),
            pl.BlockSpec((D_, 3 * D_), lambda i: (0, 0)),
            pl.BlockSpec((M_, 3 * D_), wc_index),
            pl.BlockSpec((D_, 3 * D_), lambda i: (0, 0)),
            pl.BlockSpec((3 * D_,), lambda i: (0,)),
            pl.BlockSpec((3 * D_,), lambda i: (0,)),
        ],
        out_specs=pl.BlockSpec((BN, D_), lambda i: (i, 0)),
        out_shape=jax.ShapeDtypeStruct((N_, D_), jnp.float32),
    )(x, h, parts, parts, W_ih, W_ih, W_hh, b_ih, b_hh)


def kernel(x, h, edge_index, W_msg, b_msg, W_ih, W_hh, b_ih, b_hh):
    p_aug = _stage_a(x, h, W_msg, b_msg)
    zeros = jnp.zeros((RPS, W_), jnp.float32)
    edge4 = edge_index.reshape(2, NW, NCH, CH)
    parts = _sc_aggregate(edge4, p_aug, zeros)
    return _stage_b(x, h, parts, W_ih, W_hh, b_ih, b_hh)

# --- scband reference (transcript-rebuilt; emitter-appended) ---
"""Pipeline reference for scband-base-comm-29214367547980 (READ-ONLY COPY).

The authoritative reference and input builder live on the scoring server;
editing this copy changes nothing except your own understanding.
"""

import jax, jax.numpy as jnp
import numpy as np

N = 10000
E = 320000
D = 128   # hidden_size
M = 32    # msg_size


def setup_inputs(seed: int = 0) -> dict:
    key = jax.random.key(seed)
    ks = jax.random.split(key, 9)
    x = jax.random.normal(ks[0], (N, D), dtype=jnp.float32)
    h = jax.random.normal(ks[1], (N, D), dtype=jnp.float32)
    edge_index = jax.random.randint(ks[2], (2, E), 0, N, dtype=jnp.int32)
    # f_msg: Linear(2*D -> M), stored as (in, out) for x @ W
    s1 = 1.0 / np.sqrt(2 * D)
    W_msg = jax.random.uniform(ks[3], (2 * D, M), jnp.float32, -s1, s1)
    b_msg = jax.random.uniform(ks[4], (M,), jnp.float32, -s1, s1)
    # GRUCell(input=D+M, hidden=D): torch layout weight_ih [3H, In] -> stored transposed (In, 3H)
    s2 = 1.0 / np.sqrt(D)
    W_ih = jax.random.uniform(ks[5], (D + M, 3 * D), jnp.float32, -s2, s2)
    W_hh = jax.random.uniform(ks[6], (D, 3 * D), jnp.float32, -s2, s2)
    b_ih = jax.random.uniform(ks[7], (3 * D,), jnp.float32, -s2, s2)
    b_hh = jax.random.uniform(ks[8], (3 * D,), jnp.float32, -s2, s2)
    return {"x": x, "h": h, "edge_index": edge_index,
            "W_msg": W_msg, "b_msg": b_msg,
            "W_ih": W_ih, "W_hh": W_hh, "b_ih": b_ih, "b_hh": b_hh}


def reference(x, h, edge_index, W_msg, b_msg, W_ih, W_hh, b_ih, b_hh):
    src = edge_index[0]
    dst = edge_index[1]
    # msg_func: messages use detached hidden state of source node
    h_det = jax.lax.stop_gradient(h)
    src_feat = jnp.concatenate([jnp.take(x, src, axis=0),
                                jnp.take(h_det, src, axis=0)], axis=1)
    m = src_feat @ W_msg + b_msg  # [E, M]
    # aggr_func: mean of incoming messages per destination node
    msum = jax.ops.segment_sum(m, dst, num_segments=N)
    deg = jax.ops.segment_sum(jnp.ones((E,), jnp.float32), dst, num_segments=N)
    c = msum / jnp.maximum(deg, 1.0)[:, None]  # zero-in-degree nodes get c=0
    # GRUCell(cat(x, c), h) with torch gate ordering (r, z, n)
    inp = jnp.concatenate([x, c], axis=1)
    gi = inp @ W_ih + b_ih
    gh = h @ W_hh + b_hh
    i_r, i_z, i_n = jnp.split(gi, 3, axis=1)
    h_r, h_z, h_n = jnp.split(gh, 3, axis=1)
    r = jax.nn.sigmoid(i_r + h_r)
    z = jax.nn.sigmoid(i_z + h_z)
    n = jnp.tanh(i_n + r * h_n)
    h_new = (1.0 - z) * n + z * h
    return h_new

if __name__ == "__main__":
    import jax
    _d = setup_inputs()
    print(jax.jit(kernel)(*tuple(_d.values())))

</pallas_src>

<mosaic_0001>
#map = affine_map<(d0, d1) -> (0, 0, 0, 0)>
#map1 = affine_map<(d0, d1) -> (0, 0)>
module attributes {stable_mosaic.version = 14 : i64} {
  func.func @body(%arg0: i32, %arg1: i32, %arg2: memref<2x32x125x80xi32, #tpu.memory_space<hbm>>, %arg3: memref<10000x48xf32, #tpu.memory_space<hbm>>, %arg4: memref<624x48xf32, #tpu.memory_space<hbm>>, %arg5: memref<20000x48xf32, #tpu.memory_space<hbm>>, %arg6: memref<125x80xi32, #tpu.memory_space<vmem>>, %arg7: memref<125x80xi32, #tpu.memory_space<vmem>>, %arg8: memref<80x48xf32, #tpu.memory_space<vmem>>, %arg9: memref<80x48xf32, #tpu.memory_space<vmem>>, %arg10: memref<80x48xf32, #tpu.memory_space<vmem>>, %arg11: memref<80x48xf32, #tpu.memory_space<vmem>>, %arg12: memref<80x48xf32, #tpu.memory_space<vmem>>, %arg13: memref<80x48xf32, #tpu.memory_space<vmem>>, %arg14: memref<80x48xf32, #tpu.memory_space<vmem>>, %arg15: memref<80x48xf32, #tpu.memory_space<vmem>>, %arg16: memref<80x48xf32, #tpu.memory_space<vmem>>, %arg17: memref<80x48xf32, #tpu.memory_space<vmem>>, %arg18: memref<80x48xf32, #tpu.memory_space<vmem>>, %arg19: memref<80x48xf32, #tpu.memory_space<vmem>>, %arg20: memref<10000x48xf32, #tpu.memory_space<vmem_shared>>, %arg21: memref<!tpu.dma_semaphore, #tpu.memory_space<semaphore_mem>>, %arg22: memref<!tpu.dma_semaphore, #tpu.memory_space<semaphore_mem>>, %arg23: memref<!tpu.dma_semaphore, #tpu.memory_space<semaphore_mem>>, %arg24: memref<!tpu.dma_semaphore, #tpu.memory_space<semaphore_mem>>, %arg25: memref<!tpu.dma_semaphore, #tpu.memory_space<semaphore_mem>>, %arg26: memref<!tpu.dma_semaphore, #tpu.memory_space<semaphore_mem>>, %arg27: memref<!tpu.dma_semaphore, #tpu.memory_space<semaphore_mem>>, %arg28: memref<!tpu.dma_semaphore, #tpu.memory_space<semaphore_mem>>, %arg29: memref<!tpu.dma_semaphore, #tpu.memory_space<semaphore_mem>>, %arg30: memref<!tpu.dma_semaphore, #tpu.memory_space<semaphore_mem>>, %arg31: memref<!tpu.dma_semaphore, #tpu.memory_space<semaphore_mem>>, %arg32: memref<!tpu.dma_semaphore, #tpu.memory_space<semaphore_mem>>, %arg33: memref<!tpu.dma_semaphore, #tpu.memory_space<semaphore_mem>>, %arg34: memref<!tpu.dma_semaphore, #tpu.memory_space<semaphore_mem>>, %arg35: memref<!tpu.dma_semaphore, #tpu.memory_space<semaphore_mem>>, %arg36: memref<!tpu.dma_semaphore, #tpu.memory_space<semaphore_mem>>, %arg37: memref<!tpu.dma_semaphore, #tpu.memory_space<semaphore_mem>>, %arg38: memref<!tpu.dma_semaphore, #tpu.memory_space<semaphore_mem>>, %arg39: memref<!tpu.dma_semaphore, #tpu.memory_space<semaphore_mem>>, %arg40: memref<!tpu.dma_semaphore, #tpu.memory_space<semaphore_mem>>, %arg41: memref<!tpu.dma_semaphore, #tpu.memory_space<semaphore_mem>>, %arg42: memref<!tpu.dma_semaphore, #tpu.memory_space<semaphore_mem>>, %arg43: memref<!tpu.dma_semaphore, #tpu.memory_space<semaphore_mem>>, %arg44: memref<!tpu.dma_semaphore, #tpu.memory_space<semaphore_mem>>) attributes {dimension_semantics = [#tpu.dimension_semantics<core_parallel>, #tpu.dimension_semantics<subcore_parallel>], iteration_bounds = array<i64: 2, 16>, scalar_prefetch = 0 : i64, scratch_operands = 39 : i64, tpu.core_type = #tpu.core_type<sc_vector_subcore>, window_params = [{transform_indices = #map}, {transform_indices = #map1}, {transform_indices = #map1}, {transform_indices = #map1}]} {
    %mul3A = arith.constant 2 : i32
    %mul3A_0 = arith.muli %arg1, %mul3A : i32
    %add3A = arith.addi %mul3A_0, %arg0 : i32
    %run_scoped3A = arith.constant 0 : i32
    "tpu.region"() ({
      %run_scoped3A_211 = tpu.sem_alloc : memref<!tpu.dma_semaphore, #tpu.memory_space<semaphore_mem>>
      %dma_start3A_212 = arith.constant 0 : i32
      %dma_start3A_213 = arith.constant 0 : i32
      %dma_start3A_214 = tpu.memref_slice %arg2[%run_scoped3A, %add3A, %dma_start3A_212, %dma_start3A_213] : memref<2x32x125x80xi32, #tpu.memory_space<hbm>> -> memref<1x1x125x80xi32, #tpu.memory_space<hbm>>
      %dma_start3A_215 = tpu.memref_squeeze %dma_start3A_214 : memref<1x1x125x80xi32, #tpu.memory_space<hbm>> -> memref<125x80xi32, #tpu.memory_space<hbm>>
      %dma_start3A_216 = arith.constant 0 : i32
      %dma_start3A_217 = arith.constant 0 : i32
      %dma_start3A_218 = tpu.memref_slice %arg2[%run_scoped3A, %add3A, %dma_start3A_216, %dma_start3A_217] : memref<2x32x125x80xi32, #tpu.memory_space<hbm>> -> memref<1x1x125x80xi32, #tpu.memory_space<hbm>>
      %dma_start3A_219 = tpu.memref_squeeze %dma_start3A_218 : memref<1x1x125x80xi32, #tpu.memory_space<hbm>> -> memref<125x80xi32, #tpu.memory_space<hbm>>
      tpu.enqueue_dma source(%dma_start3A_219 : memref<125x80xi32, #tpu.memory_space<hbm>>) target(%arg6 : memref<125x80xi32, #tpu.memory_space<vmem>>) target_semaphore(%run_scoped3A_211 : memref<!tpu.dma_semaphore, #tpu.memory_space<semaphore_mem>>)
      %dma_wait3A_220 = arith.constant 0 : i32
      %dma_wait3A_221 = arith.constant 0 : i32
      %dma_wait3A_222 = tpu.memref_slice %arg2[%run_scoped3A, %add3A, %dma_wait3A_220, %dma_wait3A_221] : memref<2x32x125x80xi32, #tpu.memory_space<hbm>> -> memref<1x1x125x80xi32, #tpu.memory_space<hbm>>
      %dma_wait3A_223 = tpu.memref_squeeze %dma_wait3A_222 : memref<1x1x125x80xi32, #tpu.memory_space<hbm>> -> memref<125x80xi32, #tpu.memory_space<hbm>>
      %dma_wait3A_224 = arith.constant 0 : i32
      %dma_wait3A_225 = arith.constant 0 : i32
      %dma_wait3A_226 = tpu.memref_slice %arg2[%run_scoped3A, %add3A, %dma_wait3A_224, %dma_wait3A_225] : memref<2x32x125x80xi32, #tpu.memory_space<hbm>> -> memref<1x1x125x80xi32, #tpu.memory_space<hbm>>
      %dma_wait3A_227 = tpu.memref_squeeze %dma_wait3A_226 : memref<1x1x125x80xi32, #tpu.memory_space<hbm>> -> memref<125x80xi32, #tpu.memory_space<hbm>>
      tpu.wait_dma2 semaphore(%run_scoped3A_211 : memref<!tpu.dma_semaphore, #tpu.memory_space<semaphore_mem>>) src(%dma_wait3A_227 : memref<125x80xi32, #tpu.memory_space<hbm>>) dst(%arg6 : memref<125x80xi32, #tpu.memory_space<vmem>>)
      tpu.yield
    }) : () -> ()
    %run_scoped3A_1 = arith.constant 1 : i32
    "tpu.region"() ({
      %run_scoped3A_211 = tpu.sem_alloc : memref<!tpu.dma_semaphore, #tpu.memory_space<semaphore_mem>>
      %dma_start3A_212 = arith.constant 0 : i32
      %dma_start3A_213 = arith.constant 0 : i32
      %dma_start3A_214 = tpu.memref_slice %arg2[%run_scoped3A_1, %add3A, %dma_start3A_212, %dma_start3A_213] : memref<2x32x125x80xi32, #tpu.memory_space<hbm>> -> memref<1x1x125x80xi32, #tpu.memory_space<hbm>>
      %dma_start3A_215 = tpu.memref_squeeze %dma_start3A_214 : memref<1x1x125x80xi32, #tpu.memory_space<hbm>> -> memref<125x80xi32, #tpu.memory_space<hbm>>
      %dma_start3A_216 = arith.constant 0 : i32
      %dma_start3A_217 = arith.constant 0 : i32
      %dma_start3A_218 = tpu.memref_slice %arg2[%run_scoped3A_1, %add3A, %dma_start3A_216, %dma_start3A_217] : memref<2x32x125x80xi32, #tpu.memory_space<hbm>> -> memref<1x1x125x80xi32, #tpu.memory_space<hbm>>
      %dma_start3A_219 = tpu.memref_squeeze %dma_start3A_218 : memref<1x1x125x80xi32, #tpu.memory_space<hbm>> -> memref<125x80xi32, #tpu.memory_space<hbm>>
      tpu.enqueue_dma source(%dma_start3A_219 : memref<125x80xi32, #tpu.memory_space<hbm>>) target(%arg7 : memref<125x80xi32, #tpu.memory_space<vmem>>) target_semaphore(%run_scoped3A_211 : memref<!tpu.dma_semaphore, #tpu.memory_space<semaphore_mem>>)
      %dma_wait3A_220 = arith.constant 0 : i32
      %dma_wait3A_221 = arith.constant 0 : i32
      %dma_wait3A_222 = tpu.memref_slice %arg2[%run_scoped3A_1, %add3A, %dma_wait3A_220, %dma_wait3A_221] : memref<2x32x125x80xi32, #tpu.memory_space<hbm>> -> memref<1x1x125x80xi32, #tpu.memory_space<hbm>>
      %dma_wait3A_223 = tpu.memref_squeeze %dma_wait3A_222 : memref<1x1x125x80xi32, #tpu.memory_space<hbm>> -> memref<125x80xi32, #tpu.memory_space<hbm>>
      %dma_wait3A_224 = arith.constant 0 : i32
      %dma_wait3A_225 = arith.constant 0 : i32
      %dma_wait3A_226 = tpu.memref_slice %arg2[%run_scoped3A_1, %add3A, %dma_wait3A_224, %dma_wait3A_225] : memref<2x32x125x80xi32, #tpu.memory_space<hbm>> -> memref<1x1x125x80xi32, #tpu.memory_space<hbm>>
      %dma_wait3A_227 = tpu.memref_squeeze %dma_wait3A_226 : memref<1x1x125x80xi32, #tpu.memory_space<hbm>> -> memref<125x80xi32, #tpu.memory_space<hbm>>
      tpu.wait_dma2 semaphore(%run_scoped3A_211 : memref<!tpu.dma_semaphore, #tpu.memory_space<semaphore_mem>>) src(%dma_wait3A_227 : memref<125x80xi32, #tpu.memory_space<hbm>>) dst(%arg7 : memref<125x80xi32, #tpu.memory_space<vmem>>)
      tpu.yield
    }) : () -> ()
    %dma_start3A = arith.constant 0 : i32
    %dma_start3A_2 = arith.constant 0 : i32
    %dma_start3A_3 = tpu.memref_slice %arg6[%dma_start3A, %dma_start3A_2] : memref<125x80xi32, #tpu.memory_space<vmem>> -> memref<1x80xi32, #tpu.memory_space<vmem>>
    %dma_start3A_4 = tpu.memref_squeeze %dma_start3A_3 : memref<1x80xi32, #tpu.memory_space<vmem>> -> memref<80xi32, #tpu.memory_space<vmem>>
    %dma_start3A_5 = arith.constant 0 : i32
    %dma_start3A_6 = arith.constant 0 : i32
    %dma_start3A_7 = tpu.memref_slice %arg3[%dma_start3A_5, %dma_start3A_6] : memref<10000x48xf32, #tpu.memory_space<hbm>> -> memref<10000x48xf32, #tpu.memory_space<hbm>>
    tpu.enqueue_indirect_dma source(%dma_start3A_7 : memref<10000x48xf32, #tpu.memory_space<hbm>>) target(%arg8 : memref<80x48xf32, #tpu.memory_space<vmem>>) offsets(%dma_start3A_4 : memref<80xi32, #tpu.memory_space<vmem>>) semaphore(%arg21 : memref<!tpu.dma_semaphore, #tpu.memory_space<semaphore_mem>>)
    %dma_start3A_8 = arith.constant 1 : i32
    %dma_start3A_9 = arith.constant 0 : i32
    %dma_start3A_10 = tpu.memref_slice %arg6[%dma_start3A_8, %dma_start3A_9] : memref<125x80xi32, #tpu.memory_space<vmem>> -> memref<1x80xi32, #tpu.memory_space<vmem>>
    %dma_start3A_11 = tpu.memref_squeeze %dma_start3A_10 : memref<1x80xi32, #tpu.memory_space<vmem>> -> memref<80xi32, #tpu.memory_space<vmem>>
    %dma_start3A_12 = arith.constant 0 : i32
    %dma_start3A_13 = arith.constant 0 : i32
    %dma_start3A_14 = tpu.memref_slice %arg3[%dma_start3A_12, %dma_start3A_13] : memref<10000x48xf32, #tpu.memory_space<hbm>> -> memref<10000x48xf32, #tpu.memory_space<hbm>>
    tpu.enqueue_indirect_dma source(%dma_start3A_14 : memref<10000x48xf32, #tpu.memory_space<hbm>>) target(%arg9 : memref<80x48xf32, #tpu.memory_space<vmem>>) offsets(%dma_start3A_11 : memref<80xi32, #tpu.memory_space<vmem>>) semaphore(%arg22 : memref<!tpu.dma_semaphore, #tpu.memory_space<semaphore_mem>>)
    %dma_start3A_15 = arith.constant 2 : i32
    %dma_start3A_16 = arith.constant 0 : i32
    %dma_start3A_17 = tpu.memref_slice %arg6[%dma_start3A_15, %dma_start3A_16] : memref<125x80xi32, #tpu.memory_space<vmem>> -> memref<1x80xi32, #tpu.memory_space<vmem>>
    %dma_start3A_18 = tpu.memref_squeeze %dma_start3A_17 : memref<1x80xi32, #tpu.memory_space<vmem>> -> memref<80xi32, #tpu.memory_space<vmem>>
    %dma_start3A_19 = arith.constant 0 : i32
    %dma_start3A_20 = arith.constant 0 : i32
    %dma_start3A_21 = tpu.memref_slice %arg3[%dma_start3A_19, %dma_start3A_20] : memref<10000x48xf32, #tpu.memory_space<hbm>> -> memref<10000x48xf32, #tpu.memory_space<hbm>>
    tpu.enqueue_indirect_dma source(%dma_start3A_21 : memref<10000x48xf32, #tpu.memory_space<hbm>>) target(%arg10 : memref<80x48xf32, #tpu.memory_space<vmem>>) offsets(%dma_start3A_18 : memref<80xi32, #tpu.memory_space<vmem>>) semaphore(%arg23 : memref<!tpu.dma_semaphore, #tpu.memory_space<semaphore_mem>>)
    %dma_start3A_22 = arith.constant 3 : i32
    %dma_start3A_23 = arith.constant 0 : i32
    %dma_start3A_24 = tpu.memref_slice %arg6[%dma_start3A_22, %dma_start3A_23] : memref<125x80xi32, #tpu.memory_space<vmem>> -> memref<1x80xi32, #tpu.memory_space<vmem>>
    %dma_start3A_25 = tpu.memref_squeeze %dma_start3A_24 : memref<1x80xi32, #tpu.memory_space<vmem>> -> memref<80xi32, #tpu.memory_space<vmem>>
    %dma_start3A_26 = arith.constant 0 : i32
    %dma_start3A_27 = arith.constant 0 : i32
    %dma_start3A_28 = tpu.memref_slice %arg3[%dma_start3A_26, %dma_start3A_27] : memref<10000x48xf32, #tpu.memory_space<hbm>> -> memref<10000x48xf32, #tpu.memory_space<hbm>>
    tpu.enqueue_indirect_dma source(%dma_start3A_28 : memref<10000x48xf32, #tpu.memory_space<hbm>>) target(%arg11 : memref<80x48xf32, #tpu.memory_space<vmem>>) offsets(%dma_start3A_25 : memref<80xi32, #tpu.memory_space<vmem>>) semaphore(%arg24 : memref<!tpu.dma_semaphore, #tpu.memory_space<semaphore_mem>>)
    %dma_start3A_29 = arith.constant 4 : i32
    %dma_start3A_30 = arith.constant 0 : i32
    %dma_start3A_31 = tpu.memref_slice %arg6[%dma_start3A_29, %dma_start3A_30] : memref<125x80xi32, #tpu.memory_space<vmem>> -> memref<1x80xi32, #tpu.memory_space<vmem>>
    %dma_start3A_32 = tpu.memref_squeeze %dma_start3A_31 : memref<1x80xi32, #tpu.memory_space<vmem>> -> memref<80xi32, #tpu.memory_space<vmem>>
    %dma_start3A_33 = arith.constant 0 : i32
    %dma_start3A_34 = arith.constant 0 : i32
    %dma_start3A_35 = tpu.memref_slice %arg3[%dma_start3A_33, %dma_start3A_34] : memref<10000x48xf32, #tpu.memory_space<hbm>> -> memref<10000x48xf32, #tpu.memory_space<hbm>>
    tpu.enqueue_indirect_dma source(%dma_start3A_35 : memref<10000x48xf32, #tpu.memory_space<hbm>>) target(%arg12 : memref<80x48xf32, #tpu.memory_space<vmem>>) offsets(%dma_start3A_32 : memref<80xi32, #tpu.memory_space<vmem>>) semaphore(%arg25 : memref<!tpu.dma_semaphore, #tpu.memory_space<semaphore_mem>>)
    %dma_start3A_36 = arith.constant 5 : i32
    %dma_start3A_37 = arith.constant 0 : i32
    %dma_start3A_38 = tpu.memref_slice %arg6[%dma_start3A_36, %dma_start3A_37] : memref<125x80xi32, #tpu.memory_space<vmem>> -> memref<1x80xi32, #tpu.memory_space<vmem>>
    %dma_start3A_39 = tpu.memref_squeeze %dma_start3A_38 : memref<1x80xi32, #tpu.memory_space<vmem>> -> memref<80xi32, #tpu.memory_space<vmem>>
    %dma_start3A_40 = arith.constant 0 : i32
    %dma_start3A_41 = arith.constant 0 : i32
    %dma_start3A_42 = tpu.memref_slice %arg3[%dma_start3A_40, %dma_start3A_41] : memref<10000x48xf32, #tpu.memory_space<hbm>> -> memref<10000x48xf32, #tpu.memory_space<hbm>>
    tpu.enqueue_indirect_dma source(%dma_start3A_42 : memref<10000x48xf32, #tpu.memory_space<hbm>>) target(%arg13 : memref<80x48xf32, #tpu.memory_space<vmem>>) offsets(%dma_start3A_39 : memref<80xi32, #tpu.memory_space<vmem>>) semaphore(%arg26 : memref<!tpu.dma_semaphore, #tpu.memory_space<semaphore_mem>>)
    %mul3A_43 = arith.constant 624 : i32
    %mul3A_44 = arith.muli %arg1, %mul3A_43 : i32
    "tpu.region"() ({
      %run_scoped3A_211 = tpu.sem_alloc : memref<!tpu.dma_semaphore, #tpu.memory_space<semaphore_mem>>
      %dma_start3A_212 = arith.constant 0 : i32
      %dma_start3A_213 = tpu.memref_slice %arg20[%mul3A_44, %dma_start3A_212] : memref<10000x48xf32, #tpu.memory_space<vmem_shared>> -> memref<624x48xf32, #tpu.memory_space<vmem_shared>>
      %dma_start3A_214 = arith.constant 0 : i32
      %dma_start3A_215 = arith.constant 0 : i32
      %dma_start3A_216 = tpu.memref_slice %arg4[%dma_start3A_214, %dma_start3A_215] : memref<624x48xf32, #tpu.memory_space<hbm>> -> memref<624x48xf32, #tpu.memory_space<hbm>>
      tpu.enqueue_dma source(%dma_start3A_216 : memref<624x48xf32, #tpu.memory_space<hbm>>) target(%dma_start3A_213 : memref<624x48xf32, #tpu.memory_space<vmem_shared>>) target_semaphore(%run_scoped3A_211 : memref<!tpu.dma_semaphore, #tpu.memory_space<semaphore_mem>>)
      %dma_wait3A_217 = arith.constant 0 : i32
      %dma_wait3A_218 = tpu.memref_slice %arg20[%mul3A_44, %dma_wait3A_217] : memref<10000x48xf32, #tpu.memory_space<vmem_shared>> -> memref<624x48xf32, #tpu.memory_space<vmem_shared>>
      %dma_wait3A_219 = arith.constant 0 : i32
      %dma_wait3A_220 = arith.constant 0 : i32
      %dma_wait3A_221 = tpu.memref_slice %arg4[%dma_wait3A_219, %dma_wait3A_220] : memref<624x48xf32, #tpu.memory_space<hbm>> -> memref<624x48xf32, #tpu.memory_space<hbm>>
      tpu.wait_dma2 semaphore(%run_scoped3A_211 : memref<!tpu.dma_semaphore, #tpu.memory_space<semaphore_mem>>) src(%dma_wait3A_221 : memref<624x48xf32, #tpu.memory_space<hbm>>) dst(%dma_wait3A_218 : memref<624x48xf32, #tpu.memory_space<vmem_shared>>)
      tpu.yield
    }) : () -> ()
    %eq3A = arith.constant 15 : i32
    %eq3A_45 = arith.cmpi eq, %arg1, %eq3A : i32
    %convert_element_type3A = arith.extui %eq3A_45 : i1 to i32
    %cond3A = arith.constant 0 : i32
    %cond3A_46 = arith.cmpi ne, %convert_element_type3A, %cond3A : i32
    scf.if %cond3A_46 {
      "tpu.region"() ({
        %run_scoped3A_211 = tpu.sem_alloc : memref<!tpu.dma_semaphore, #tpu.memory_space<semaphore_mem>>
        %dma_start3A_212 = arith.constant 9984 : i32
        %dma_start3A_213 = arith.constant 0 : i32
        %dma_start3A_214 = tpu.memref_slice %arg20[%dma_start3A_212, %dma_start3A_213] : memref<10000x48xf32, #tpu.memory_space<vmem_shared>> -> memref<16x48xf32, #tpu.memory_space<vmem_shared>>
        %dma_start3A_215 = arith.constant 0 : i32
        %dma_start3A_216 = arith.constant 0 : i32
        %dma_start3A_217 = tpu.memref_slice %arg4[%dma_start3A_215, %dma_start3A_216] : memref<624x48xf32, #tpu.memory_space<hbm>> -> memref<16x48xf32, #tpu.memory_space<hbm>>
        tpu.enqueue_dma source(%dma_start3A_217 : memref<16x48xf32, #tpu.memory_space<hbm>>) target(%dma_start3A_214 : memref<16x48xf32, #tpu.memory_space<vmem_shared>>) target_semaphore(%run_scoped3A_211 : memref<!tpu.dma_semaphore, #tpu.memory_space<semaphore_mem>>)
        %dma_wait3A_218 = arith.constant 9984 : i32
        %dma_wait3A_219 = arith.constant 0 : i32
        %dma_wait3A_220 = tpu.memref_slice %arg20[%dma_wait3A_218, %dma_wait3A_219] : memref<10000x48xf32, #tpu.memory_space<vmem_shared>> -> memref<16x48xf32, #tpu.memory_space<vmem_shared>>
        %dma_wait3A_221 = arith.constant 0 : i32
        %dma_wait3A_222 = arith.constant 0 : i32
        %dma_wait3A_223 = tpu.memref_slice %arg4[%dma_wait3A_221, %dma_wait3A_222] : memref<624x48xf32, #tpu.memory_space<hbm>> -> memref<16x48xf32, #tpu.memory_space<hbm>>
        tpu.wait_dma2 semaphore(%run_scoped3A_211 : memref<!tpu.dma_semaphore, #tpu.memory_space<semaphore_mem>>) src(%dma_wait3A_223 : memref<16x48xf32, #tpu.memory_space<hbm>>) dst(%dma_wait3A_220 : memref<16x48xf32, #tpu.memory_space<vmem_shared>>)
        tpu.yield
      }) : () -> ()
    } else {
    }
    %barrier3A = arith.constant 0 : index
    tpu.barrier barrier_id(%barrier3A)
    %scan3A = arith.constant 0 : i32
    %scan3A_47 = arith.constant 0 : i32
    %scan3A_48 = arith.constant 10 : i32
    %scan3A_49 = arith.addi %scan3A_47, %scan3A_48 : i32
    %scan3A_50 = arith.constant 1 : i32
    scf.for %scan3A_211 = %scan3A_47 to %scan3A_49 step %scan3A_50  : i32 {
      %mul3A_212 = arith.constant 12 : i32
      %mul3A_213 = arith.muli %mul3A_212, %scan3A_211 : i32
      %add3A_214 = arith.constant 0 : i32
      %add3A_215 = arith.addi %mul3A_213, %add3A_214 : i32
      %dma_wait3A_216 = arith.constant 0 : i32
      %dma_wait3A_217 = tpu.memref_slice %arg6[%add3A_215, %dma_wait3A_216] : memref<125x80xi32, #tpu.memory_space<vmem>> -> memref<1x80xi32, #tpu.memory_space<vmem>>
      %dma_wait3A_218 = tpu.memref_squeeze %dma_wait3A_217 : memref<1x80xi32, #tpu.memory_space<vmem>> -> memref<80xi32, #tpu.memory_space<vmem>>
      %dma_wait3A_219 = arith.constant 0 : i32
      %dma_wait3A_220 = arith.constant 0 : i32
      %dma_wait3A_221 = tpu.memref_slice %arg3[%dma_wait3A_219, %dma_wait3A_220] : memref<10000x48xf32, #tpu.memory_space<hbm>> -> memref<10000x48xf32, #tpu.memory_space<hbm>>
      tpu.wait_indirect_dma semaphore(%arg21 : memref<!tpu.dma_semaphore, #tpu.memory_space<semaphore_mem>>) src(%dma_wait3A_221 : memref<10000x48xf32, #tpu.memory_space<hbm>>) dst(%arg8 : memref<80x48xf32, #tpu.memory_space<vmem>>)
      %dma_start3A_222 = arith.constant 0 : i32
      %dma_start3A_223 = tpu.memref_slice %arg7[%add3A_215, %dma_start3A_222] : memref<125x80xi32, #tpu.memory_space<vmem>> -> memref<1x80xi32, #tpu.memory_space<vmem>>
      %dma_start3A_224 = tpu.memref_squeeze %dma_start3A_223 : memref<1x80xi32, #tpu.memory_space<vmem>> -> memref<80xi32, #tpu.memory_space<vmem>>
      %dma_start3A_225 = arith.constant 0 : i32
      %dma_start3A_226 = arith.constant 0 : i32
      %dma_start3A_227 = tpu.memref_slice %arg20[%dma_start3A_225, %dma_start3A_226] : memref<10000x48xf32, #tpu.memory_space<vmem_shared>> -> memref<10000x48xf32, #tpu.memory_space<vmem_shared>>
      tpu.enqueue_indirect_dma source(%arg8 : memref<80x48xf32, #tpu.memory_space<vmem>>) target(%dma_start3A_227 : memref<10000x48xf32, #tpu.memory_space<vmem_shared>>) offsets(%dma_start3A_224 : memref<80xi32, #tpu.memory_space<vmem>>) semaphore(%arg33 : memref<!tpu.dma_semaphore, #tpu.memory_space<semaphore_mem>>) {add = true}
      %gt3A = arith.constant 0 : i32
      %gt3A_228 = arith.cmpi sgt, %scan3A_211, %gt3A : i32
      %convert_element_type3A_229 = arith.extui %gt3A_228 : i1 to i32
      %cond3A_230 = arith.constant 0 : i32
      %cond3A_231 = arith.cmpi ne, %convert_element_type3A_229, %cond3A_230 : i32
      scf.if %cond3A_231 {
        %sub3A_563 = arith.constant 6 : i32
        %sub3A_564 = arith.subi %add3A_215, %sub3A_563 : i32
        %dma_wait3A_565 = arith.constant 0 : i32
        %dma_wait3A_566 = tpu.memref_slice %arg7[%sub3A_564, %dma_wait3A_565] : memref<125x80xi32, #tpu.memory_space<vmem>> -> memref<1x80xi32, #tpu.memory_space<vmem>>
        %dma_wait3A_567 = tpu.memref_squeeze %dma_wait3A_566 : memref<1x80xi32, #tpu.memory_space<vmem>> -> memref<80xi32, #tpu.memory_space<vmem>>
        %dma_wait3A_568 = arith.constant 0 : i32
        %dma_wait3A_569 = arith.constant 0 : i32
        %dma_wait3A_570 = tpu.memref_slice %arg20[%dma_wait3A_568, %dma_wait3A_569] : memref<10000x48xf32, #tpu.memory_space<vmem_shared>> -> memref<10000x48xf32, #tpu.memory_space<vmem_shared>>
        tpu.wait_indirect_dma semaphore(%arg39 : memref<!tpu.dma_semaphore, #tpu.memory_space<semaphore_mem>>) src(%arg14 : memref<80x48xf32, #tpu.memory_space<vmem>>) dst(%dma_wait3A_570 : memref<10000x48xf32, #tpu.memory_space<vmem_shared>>)
      } else {
      }
      %add3A_232 = arith.constant 6 : i32
      %add3A_233 = arith.addi %add3A_215, %add3A_232 : i32
      %lt3A = arith.constant 125 : i32
      %lt3A_234 = arith.cmpi slt, %add3A_233, %lt3A : i32
      %convert_element_type3A_235 = arith.extui %lt3A_234 : i1 to i32
      %cond3A_236 = arith.constant 0 : i32
      %cond3A_237 = arith.cmpi ne, %convert_element_type3A_235, %cond3A_236 : i32
      scf.if %cond3A_237 {
        %add3A_563 = arith.constant 6 : i32
        %add3A_564 = arith.addi %add3A_215, %add3A_563 : i32
        %dma_start3A_565 = arith.constant 0 : i32
        %dma_start3A_566 = tpu.memref_slice %arg6[%add3A_564, %dma_start3A_565] : memref<125x80xi32, #tpu.memory_space<vmem>> -> memref<1x80xi32, #tpu.memory_space<vmem>>
        %dma_start3A_567 = tpu.memref_squeeze %dma_start3A_566 : memref<1x80xi32, #tpu.memory_space<vmem>> -> memref<80xi32, #tpu.memory_space<vmem>>
        %dma_start3A_568 = arith.constant 0 : i32
        %dma_start3A_569 = arith.constant 0 : i32
        %dma_start3A_570 = tpu.memref_slice %arg3[%dma_start3A_568, %dma_start3A_569] : memref<10000x48xf32, #tpu.memory_space<hbm>> -> memref<10000x48xf32, #tpu.memory_space<hbm>>
        tpu.enqueue_indirect_dma source(%dma_start3A_570 : memref<10000x48xf32, #tpu.memory_space<hbm>>) target(%arg14 : memref<80x48xf32, #tpu.memory_space<vmem>>) offsets(%dma_start3A_567 : memref<80xi32, #tpu.memory_space<vmem>>) semaphore(%arg27 : memref<!tpu.dma_semaphore, #tpu.memory_space<semaphore_mem>>)
      } else {
      }
      %mul3A_238 = arith.constant 12 : i32
      %mul3A_239 = arith.muli %mul3A_238, %scan3A_211 : i32
      %add3A_240 = arith.constant 1 : i32
      %add3A_241 = arith.addi %mul3A_239, %add3A_240 : i32
      %dma_wait3A_242 = arith.constant 0 : i32
      %dma_wait3A_243 = tpu.memref_slice %arg6[%add3A_241, %dma_wait3A_242] : memref<125x80xi32, #tpu.memory_space<vmem>> -> memref<1x80xi32, #tpu.memory_space<vmem>>
      %dma_wait3A_244 = tpu.memref_squeeze %dma_wait3A_243 : memref<1x80xi32, #tpu.memory_space<vmem>> -> memref<80xi32, #tpu.memory_space<vmem>>
      %dma_wait3A_245 = arith.constant 0 : i32
      %dma_wait3A_246 = arith.constant 0 : i32
      %dma_wait3A_247 = tpu.memref_slice %arg3[%dma_wait3A_245, %dma_wait3A_246] : memref<10000x48xf32, #tpu.memory_space<hbm>> -> memref<10000x48xf32, #tpu.memory_space<hbm>>
      tpu.wait_indirect_dma semaphore(%arg22 : memref<!tpu.dma_semaphore, #tpu.memory_space<semaphore_mem>>) src(%dma_wait3A_247 : memref<10000x48xf32, #tpu.memory_space<hbm>>) dst(%arg9 : memref<80x48xf32, #tpu.memory_space<vmem>>)
      %dma_start3A_248 = arith.constant 0 : i32
      %dma_start3A_249 = tpu.memref_slice %arg7[%add3A_241, %dma_start3A_248] : memref<125x80xi32, #tpu.memory_space<vmem>> -> memref<1x80xi32, #tpu.memory_space<vmem>>
      %dma_start3A_250 = tpu.memref_squeeze %dma_start3A_249 : memref<1x80xi32, #tpu.memory_space<vmem>> -> memref<80xi32, #tpu.memory_space<vmem>>
      %dma_start3A_251 = arith.constant 0 : i32
      %dma_start3A_252 = arith.constant 0 : i32
      %dma_start3A_253 = tpu.memref_slice %arg20[%dma_start3A_251, %dma_start3A_252] : memref<10000x48xf32, #tpu.memory_space<vmem_shared>> -> memref<10000x48xf32, #tpu.memory_space<vmem_shared>>
      tpu.enqueue_indirect_dma source(%arg9 : memref<80x48xf32, #tpu.memory_space<vmem>>) target(%dma_start3A_253 : memref<10000x48xf32, #tpu.memory_space<vmem_shared>>) offsets(%dma_start3A_250 : memref<80xi32, #tpu.memory_space<vmem>>) semaphore(%arg34 : memref<!tpu.dma_semaphore, #tpu.memory_space<semaphore_mem>>) {add = true}
      %gt3A_254 = arith.constant 0 : i32
      %gt3A_255 = arith.cmpi sgt, %scan3A_211, %gt3A_254 : i32
      %convert_element_type3A_256 = arith.extui %gt3A_255 : i1 to i32
      %cond3A_257 = arith.constant 0 : i32
      %cond3A_258 = arith.cmpi ne, %convert_element_type3A_256, %cond3A_257 : i32
      scf.if %cond3A_258 {
        %sub3A_563 = arith.constant 6 : i32
        %sub3A_564 = arith.subi %add3A_241, %sub3A_563 : i32
        %dma_wait3A_565 = arith.constant 0 : i32
        %dma_wait3A_566 = tpu.memref_slice %arg7[%sub3A_564, %dma_wait3A_565] : memref<125x80xi32, #tpu.memory_space<vmem>> -> memref<1x80xi32, #tpu.memory_space<vmem>>
        %dma_wait3A_567 = tpu.memref_squeeze %dma_wait3A_566 : memref<1x80xi32, #tpu.memory_space<vmem>> -> memref<80xi32, #tpu.memory_space<vmem>>
        %dma_wait3A_568 = arith.constant 0 : i32
        %dma_wait3A_569 = arith.constant 0 : i32
        %dma_wait3A_570 = tpu.memref_slice %arg20[%dma_wait3A_568, %dma_wait3A_569] : memref<10000x48xf32, #tpu.memory_space<vmem_shared>> -> memref<10000x48xf32, #tpu.memory_space<vmem_shared>>
        tpu.wait_indirect_dma semaphore(%arg40 : memref<!tpu.dma_semaphore, #tpu.memory_space<semaphore_mem>>) src(%arg15 : memref<80x48xf32, #tpu.memory_space<vmem>>) dst(%dma_wait3A_570 : memref<10000x48xf32, #tpu.memory_space<vmem_shared>>)
      } else {
      }
      %add3A_259 = arith.constant 6 : i32
      %add3A_260 = arith.addi %add3A_241, %add3A_259 : i32
      %lt3A_261 = arith.constant 125 : i32
      %lt3A_262 = arith.cmpi slt, %add3A_260, %lt3A_261 : i32
      %convert_element_type3A_263 = arith.extui %lt3A_262 : i1 to i32
      %cond3A_264 = arith.constant 0 : i32
      %cond3A_265 = arith.cmpi ne, %convert_element_type3A_263, %cond3A_264 : i32
      scf.if %cond3A_265 {
        %add3A_563 = arith.constant 6 : i32
        %add3A_564 = arith.addi %add3A_241, %add3A_563 : i32
        %dma_start3A_565 = arith.constant 0 : i32
        %dma_start3A_566 = tpu.memref_slice %arg6[%add3A_564, %dma_start3A_565] : memref<125x80xi32, #tpu.memory_space<vmem>> -> memref<1x80xi32, #tpu.memory_space<vmem>>
        %dma_start3A_567 = tpu.memref_squeeze %dma_start3A_566 : memref<1x80xi32, #tpu.memory_space<vmem>> -> memref<80xi32, #tpu.memory_space<vmem>>
        %dma_start3A_568 = arith.constant 0 : i32
        %dma_start3A_569 = arith.constant 0 : i32
        %dma_start3A_570 = tpu.memref_slice %arg3[%dma_start3A_568, %dma_start3A_569] : memref<10000x48xf32, #tpu.memory_space<hbm>> -> memref<10000x48xf32, #tpu.memory_space<hbm>>
        tpu.enqueue_indirect_dma source(%dma_start3A_570 : memref<10000x48xf32, #tpu.memory_space<hbm>>) target(%arg15 : memref<80x48xf32, #tpu.memory_space<vmem>>) offsets(%dma_start3A_567 : memref<80xi32, #tpu.memory_space<vmem>>) semaphore(%arg28 : memref<!tpu.dma_semaphore, #tpu.memory_space<semaphore_mem>>)
      } else {
      }
      %mul3A_266 = arith.constant 12 : i32
      %mul3A_267 = arith.muli %mul3A_266, %scan3A_211 : i32
      %add3A_268 = arith.constant 2 : i32
      %add3A_269 = arith.addi %mul3A_267, %add3A_268 : i32
      %dma_wait3A_270 = arith.constant 0 : i32
      %dma_wait3A_271 = tpu.memref_slice %arg6[%add3A_269, %dma_wait3A_270] : memref<125x80xi32, #tpu.memory_space<vmem>> -> memref<1x80xi32, #tpu.memory_space<vmem>>
      %dma_wait3A_272 = tpu.memref_squeeze %dma_wait3A_271 : memref<1x80xi32, #tpu.memory_space<vmem>> -> memref<80xi32, #tpu.memory_space<vmem>>
      %dma_wait3A_273 = arith.constant 0 : i32
      %dma_wait3A_274 = arith.constant 0 : i32
      %dma_wait3A_275 = tpu.memref_slice %arg3[%dma_wait3A_273, %dma_wait3A_274] : memref<10000x48xf32, #tpu.memory_space<hbm>> -> memref<10000x48xf32, #tpu.memory_space<hbm>>
      tpu.wait_indirect_dma semaphore(%arg23 : memref<!tpu.dma_semaphore, #tpu.memory_space<semaphore_mem>>) src(%dma_wait3A_275 : memref<10000x48xf32, #tpu.memory_space<hbm>>) dst(%arg10 : memref<80x48xf32, #tpu.memory_space<vmem>>)
      %dma_start3A_276 = arith.constant 0 : i32
      %dma_start3A_277 = tpu.memref_slice %arg7[%add3A_269, %dma_start3A_276] : memref<125x80xi32, #tpu.memory_space<vmem>> -> memref<1x80xi32, #tpu.memory_space<vmem>>
      %dma_start3A_278 = tpu.memref_squeeze %dma_start3A_277 : memref<1x80xi32, #tpu.memory_space<vmem>> -> memref<80xi32, #tpu.memory_space<vmem>>
      %dma_start3A_279 = arith.constant 0 : i32
      %dma_start3A_280 = arith.constant 0 : i32
      %dma_start3A_281 = tpu.memref_slice %arg20[%dma_start3A_279, %dma_start3A_280] : memref<10000x48xf32, #tpu.memory_space<vmem_shared>> -> memref<10000x48xf32, #tpu.memory_space<vmem_shared>>
      tpu.enqueue_indirect_dma source(%arg10 : memref<80x48xf32, #tpu.memory_space<vmem>>) target(%dma_start3A_281 : memref<10000x48xf32, #tpu.memory_space<vmem_shared>>) offsets(%dma_start3A_278 : memref<80xi32, #tpu.memory_space<vmem>>) semaphore(%arg35 : memref<!tpu.dma_semaphore, #tpu.memory_space<semaphore_mem>>) {add = true}
      %gt3A_282 = arith.constant 0 : i32
      %gt3A_283 = arith.cmpi sgt, %scan3A_211, %gt3A_282 : i32
      %convert_element_type3A_284 = arith.extui %gt3A_283 : i1 to i32
      %cond3A_285 = arith.constant 0 : i32
      %cond3A_286 = arith.cmpi ne, %convert_element_type3A_284, %cond3A_285 : i32
      scf.if %cond3A_286 {
        %sub3A_563 = arith.constant 6 : i32
        %sub3A_564 = arith.subi %add3A_269, %sub3A_563 : i32
        %dma_wait3A_565 = arith.constant 0 : i32
        %dma_wait3A_566 = tpu.memref_slice %arg7[%sub3A_564, %dma_wait3A_565] : memref<125x80xi32, #tpu.memory_space<vmem>> -> memref<1x80xi32, #tpu.memory_space<vmem>>
        %dma_wait3A_567 = tpu.memref_squeeze %dma_wait3A_566 : memref<1x80xi32, #tpu.memory_space<vmem>> -> memref<80xi32, #tpu.memory_space<vmem>>
        %dma_wait3A_568 = arith.constant 0 : i32
        %dma_wait3A_569 = arith.constant 0 : i32
        %dma_wait3A_570 = tpu.memref_slice %arg20[%dma_wait3A_568, %dma_wait3A_569] : memref<10000x48xf32, #tpu.memory_space<vmem_shared>> -> memref<10000x48xf32, #tpu.memory_space<vmem_shared>>
        tpu.wait_indirect_dma semaphore(%arg41 : memref<!tpu.dma_semaphore, #tpu.memory_space<semaphore_mem>>) src(%arg16 : memref<80x48xf32, #tpu.memory_space<vmem>>) dst(%dma_wait3A_570 : memref<10000x48xf32, #tpu.memory_space<vmem_shared>>)
      } else {
      }
      %add3A_287 = arith.constant 6 : i32
      %add3A_288 = arith.addi %add3A_269, %add3A_287 : i32
      %lt3A_289 = arith.constant 125 : i32
      %lt3A_290 = arith.cmpi slt, %add3A_288, %lt3A_289 : i32
      %convert_element_type3A_291 = arith.extui %lt3A_290 : i1 to i32
      %cond3A_292 = arith.constant 0 : i32
      %cond3A_293 = arith.cmpi ne, %convert_element_type3A_291, %cond3A_292 : i32
      scf.if %cond3A_293 {
        %add3A_563 = arith.constant 6 : i32
        %add3A_564 = arith.addi %add3A_269, %add3A_563 : i32
        %dma_start3A_565 = arith.constant 0 : i32
        %dma_start3A_566 = tpu.memref_slice %arg6[%add3A_564, %dma_start3A_565] : memref<125x80xi32, #tpu.memory_space<vmem>> -> memref<1x80xi32, #tpu.memory_space<vmem>>
        %dma_start3A_567 = tpu.memref_squeeze %dma_start3A_566 : memref<1x80xi32, #tpu.memory_space<vmem>> -> memref<80xi32, #tpu.memory_space<vmem>>
        %dma_start3A_568 = arith.constant 0 : i32
        %dma_start3A_569 = arith.constant 0 : i32
        %dma_start3A_570 = tpu.memref_slice %arg3[%dma_start3A_568, %dma_start3A_569] : memref<10000x48xf32, #tpu.memory_space<hbm>> -> memref<10000x48xf32, #tpu.memory_space<hbm>>
        tpu.enqueue_indirect_dma source(%dma_start3A_570 : memref<10000x48xf32, #tpu.memory_space<hbm>>) target(%arg16 : memref<80x48xf32, #tpu.memory_space<vmem>>) offsets(%dma_start3A_567 : memref<80xi32, #tpu.memory_space<vmem>>) semaphore(%arg29 : memref<!tpu.dma_semaphore, #tpu.memory_space<semaphore_mem>>)
      } else {
      }
      %mul3A_294 = arith.constant 12 : i32
      %mul3A_295 = arith.muli %mul3A_294, %scan3A_211 : i32
      %add3A_296 = arith.constant 3 : i32
      %add3A_297 = arith.addi %mul3A_295, %add3A_296 : i32
      %dma_wait3A_298 = arith.constant 0 : i32
      %dma_wait3A_299 = tpu.memref_slice %arg6[%add3A_297, %dma_wait3A_298] : memref<125x80xi32, #tpu.memory_space<vmem>> -> memref<1x80xi32, #tpu.memory_space<vmem>>
      %dma_wait3A_300 = tpu.memref_squeeze %dma_wait3A_299 : memref<1x80xi32, #tpu.memory_space<vmem>> -> memref<80xi32, #tpu.memory_space<vmem>>
      %dma_wait3A_301 = arith.constant 0 : i32
      %dma_wait3A_302 = arith.constant 0 : i32
      %dma_wait3A_303 = tpu.memref_slice %arg3[%dma_wait3A_301, %dma_wait3A_302] : memref<10000x48xf32, #tpu.memory_space<hbm>> -> memref<10000x48xf32, #tpu.memory_space<hbm>>
      tpu.wait_indirect_dma semaphore(%arg24 : memref<!tpu.dma_semaphore, #tpu.memory_space<semaphore_mem>>) src(%dma_wait3A_303 : memref<10000x48xf32, #tpu.memory_space<hbm>>) dst(%arg11 : memref<80x48xf32, #tpu.memory_space<vmem>>)
      %dma_start3A_304 = arith.constant 0 : i32
      %dma_start3A_305 = tpu.memref_slice %arg7[%add3A_297, %dma_start3A_304] : memref<125x80xi32, #tpu.memory_space<vmem>> -> memref<1x80xi32, #tpu.memory_space<vmem>>
      %dma_start3A_306 = tpu.memref_squeeze %dma_start3A_305 : memref<1x80xi32, #tpu.memory_space<vmem>> -> memref<80xi32, #tpu.memory_space<vmem>>
      %dma_start3A_307 = arith.constant 0 : i32
      %dma_start3A_308 = arith.constant 0 : i32
      %dma_start3A_309 = tpu.memref_slice %arg20[%dma_start3A_307, %dma_start3A_308] : memref<10000x48xf32, #tpu.memory_space<vmem_shared>> -> memref<10000x48xf32, #tpu.memory_space<vmem_shared>>
      tpu.enqueue_indirect_dma source(%arg11 : memref<80x48xf32, #tpu.memory_space<vmem>>) target(%dma_start3A_309 : memref<10000x48xf32, #tpu.memory_space<vmem_shared>>) offsets(%dma_start3A_306 : memref<80xi32, #tpu.memory_space<vmem>>) semaphore(%arg36 : memref<!tpu.dma_semaphore, #tpu.memory_space<semaphore_mem>>) {add = true}
      %gt3A_310 = arith.constant 0 : i32
      %gt3A_311 = arith.cmpi sgt, %scan3A_211, %gt3A_310 : i32
      %convert_element_type3A_312 = arith.extui %gt3A_311 : i1 to i32
      %cond3A_313 = arith.constant 0 : i32
      %cond3A_314 = arith.cmpi ne, %convert_element_type3A_312, %cond3A_313 : i32
      scf.if %cond3A_314 {
        %sub3A_563 = arith.constant 6 : i32
        %sub3A_564 = arith.subi %add3A_297, %sub3A_563 : i32
        %dma_wait3A_565 = arith.constant 0 : i32
        %dma_wait3A_566 = tpu.memref_slice %arg7[%sub3A_564, %dma_wait3A_565] : memref<125x80xi32, #tpu.memory_space<vmem>> -> memref<1x80xi32, #tpu.memory_space<vmem>>
        %dma_wait3A_567 = tpu.memref_squeeze %dma_wait3A_566 : memref<1x80xi32, #tpu.memory_space<vmem>> -> memref<80xi32, #tpu.memory_space<vmem>>
        %dma_wait3A_568 = arith.constant 0 : i32
        %dma_wait3A_569 = arith.constant 0 : i32
        %dma_wait3A_570 = tpu.memref_slice %arg20[%dma_wait3A_568, %dma_wait3A_569] : memref<10000x48xf32, #tpu.memory_space<vmem_shared>> -> memref<10000x48xf32, #tpu.memory_space<vmem_shared>>
        tpu.wait_indirect_dma semaphore(%arg42 : memref<!tpu.dma_semaphore, #tpu.memory_space<semaphore_mem>>) src(%arg17 : memref<80x48xf32, #tpu.memory_space<vmem>>) dst(%dma_wait3A_570 : memref<10000x48xf32, #tpu.memory_space<vmem_shared>>)
      } else {
      }
      %add3A_315 = arith.constant 6 : i32
      %add3A_316 = arith.addi %add3A_297, %add3A_315 : i32
      %lt3A_317 = arith.constant 125 : i32
      %lt3A_318 = arith.cmpi slt, %add3A_316, %lt3A_317 : i32
      %convert_element_type3A_319 = arith.extui %lt3A_318 : i1 to i32
      %cond3A_320 = arith.constant 0 : i32
      %cond3A_321 = arith.cmpi ne, %convert_element_type3A_319, %cond3A_320 : i32
      scf.if %cond3A_321 {
        %add3A_563 = arith.constant 6 : i32
        %add3A_564 = arith.addi %add3A_297, %add3A_563 : i32
        %dma_start3A_565 = arith.constant 0 : i32
        %dma_start3A_566 = tpu.memref_slice %arg6[%add3A_564, %dma_start3A_565] : memref<125x80xi32, #tpu.memory_space<vmem>> -> memref<1x80xi32, #tpu.memory_space<vmem>>
        %dma_start3A_567 = tpu.memref_squeeze %dma_start3A_566 : memref<1x80xi32, #tpu.memory_space<vmem>> -> memref<80xi32, #tpu.memory_space<vmem>>
        %dma_start3A_568 = arith.constant 0 : i32
        %dma_start3A_569 = arith.constant 0 : i32
        %dma_start3A_570 = tpu.memref_slice %arg3[%dma_start3A_568, %dma_start3A_569] : memref<10000x48xf32, #tpu.memory_space<hbm>> -> memref<10000x48xf32, #tpu.memory_space<hbm>>
        tpu.enqueue_indirect_dma source(%dma_start3A_570 : memref<10000x48xf32, #tpu.memory_space<hbm>>) target(%arg17 : memref<80x48xf32, #tpu.memory_space<vmem>>) offsets(%dma_start3A_567 : memref<80xi32, #tpu.memory_space<vmem>>) semaphore(%arg30 : memref<!tpu.dma_semaphore, #tpu.memory_space<semaphore_mem>>)
      } else {
      }
      %mul3A_322 = arith.constant 12 : i32
      %mul3A_323 = arith.muli %mul3A_322, %scan3A_211 : i32
      %add3A_324 = arith.constant 4 : i32
      %add3A_325 = arith.addi %mul3A_323, %add3A_324 : i32
      %dma_wait3A_326 = arith.constant 0 : i32
      %dma_wait3A_327 = tpu.memref_slice %arg6[%add3A_325, %dma_wait3A_326] : memref<125x80xi32, #tpu.memory_space<vmem>> -> memref<1x80xi32, #tpu.memory_space<vmem>>
      %dma_wait3A_328 = tpu.memref_squeeze %dma_wait3A_327 : memref<1x80xi32, #tpu.memory_space<vmem>> -> memref<80xi32, #tpu.memory_space<vmem>>
      %dma_wait3A_329 = arith.constant 0 : i32
      %dma_wait3A_330 = arith.constant 0 : i32
      %dma_wait3A_331 = tpu.memref_slice %arg3[%dma_wait3A_329, %dma_wait3A_330] : memref<10000x48xf32, #tpu.memory_space<hbm>> -> memref<10000x48xf32, #tpu.memory_space<hbm>>
      tpu.wait_indirect_dma semaphore(%arg25 : memref<!tpu.dma_semaphore, #tpu.memory_space<semaphore_mem>>) src(%dma_wait3A_331 : memref<10000x48xf32, #tpu.memory_space<hbm>>) dst(%arg12 : memref<80x48xf32, #tpu.memory_space<vmem>>)
      %dma_start3A_332 = arith.constant 0 : i32
      %dma_start3A_333 = tpu.memref_slice %arg7[%add3A_325, %dma_start3A_332] : memref<125x80xi32, #tpu.memory_space<vmem>> -> memref<1x80xi32, #tpu.memory_space<vmem>>
      %dma_start3A_334 = tpu.memref_squeeze %dma_start3A_333 : memref<1x80xi32, #tpu.memory_space<vmem>> -> memref<80xi32, #tpu.memory_space<vmem>>
      %dma_start3A_335 = arith.constant 0 : i32
      %dma_start3A_336 = arith.constant 0 : i32
      %dma_start3A_337 = tpu.memref_slice %arg20[%dma_start3A_335, %dma_start3A_336] : memref<10000x48xf32, #tpu.memory_space<vmem_shared>> -> memref<10000x48xf32, #tpu.memory_space<vmem_shared>>
      tpu.enqueue_indirect_dma source(%arg12 : memref<80x48xf32, #tpu.memory_space<vmem>>) target(%dma_start3A_337 : memref<10000x48xf32, #tpu.memory_space<vmem_shared>>) offsets(%dma_start3A_334 : memref<80xi32, #tpu.memory_space<vmem>>) semaphore(%arg37 : memref<!tpu.dma_semaphore, #tpu.memory_space<semaphore_mem>>) {add = true}
      %gt3A_338 = arith.constant 0 : i32
      %gt3A_339 = arith.cmpi sgt, %scan3A_211, %gt3A_338 : i32
      %convert_element_type3A_340 = arith.extui %gt3A_339 : i1 to i32
      %cond3A_341 = arith.constant 0 : i32
      %cond3A_342 = arith.cmpi ne, %convert_element_type3A_340, %cond3A_341 : i32
      scf.if %cond3A_342 {
        %sub3A_563 = arith.constant 6 : i32
        %sub3A_564 = arith.subi %add3A_325, %sub3A_563 : i32
        %dma_wait3A_565 = arith.constant 0 : i32
        %dma_wait3A_566 = tpu.memref_slice %arg7[%sub3A_564, %dma_wait3A_565] : memref<125x80xi32, #tpu.memory_space<vmem>> -> memref<1x80xi32, #tpu.memory_space<vmem>>
        %dma_wait3A_567 = tpu.memref_squeeze %dma_wait3A_566 : memref<1x80xi32, #tpu.memory_space<vmem>> -> memref<80xi32, #tpu.memory_space<vmem>>
        %dma_wait3A_568 = arith.constant 0 : i32
        %dma_wait3A_569 = arith.constant 0 : i32
        %dma_wait3A_570 = tpu.memref_slice %arg20[%dma_wait3A_568, %dma_wait3A_569] : memref<10000x48xf32, #tpu.memory_space<vmem_shared>> -> memref<10000x48xf32, #tpu.memory_space<vmem_shared>>
        tpu.wait_indirect_dma semaphore(%arg43 : memref<!tpu.dma_semaphore, #tpu.memory_space<semaphore_mem>>) src(%arg18 : memref<80x48xf32, #tpu.memory_space<vmem>>) dst(%dma_wait3A_570 : memref<10000x48xf32, #tpu.memory_space<vmem_shared>>)
      } else {
      }
      %add3A_343 = arith.constant 6 : i32
      %add3A_344 = arith.addi %add3A_325, %add3A_343 : i32
      %lt3A_345 = arith.constant 125 : i32
      %lt3A_346 = arith.cmpi slt, %add3A_344, %lt3A_345 : i32
      %convert_element_type3A_347 = arith.extui %lt3A_346 : i1 to i32
      %cond3A_348 = arith.constant 0 : i32
      %cond3A_349 = arith.cmpi ne, %convert_element_type3A_347, %cond3A_348 : i32
      scf.if %cond3A_349 {
        %add3A_563 = arith.constant 6 : i32
        %add3A_564 = arith.addi %add3A_325, %add3A_563 : i32
        %dma_start3A_565 = arith.constant 0 : i32
        %dma_start3A_566 = tpu.memref_slice %arg6[%add3A_564, %dma_start3A_565] : memref<125x80xi32, #tpu.memory_space<vmem>> -> memref<1x80xi32, #tpu.memory_space<vmem>>
        %dma_start3A_567 = tpu.memref_squeeze %dma_start3A_566 : memref<1x80xi32, #tpu.memory_space<vmem>> -> memref<80xi32, #tpu.memory_space<vmem>>
        %dma_start3A_568 = arith.constant 0 : i32
        %dma_start3A_569 = arith.constant 0 : i32
        %dma_start3A_570 = tpu.memref_slice %arg3[%dma_start3A_568, %dma_start3A_569] : memref<10000x48xf32, #tpu.memory_space<hbm>> -> memref<10000x48xf32, #tpu.memory_space<hbm>>
        tpu.enqueue_indirect_dma source(%dma_start3A_570 : memref<10000x48xf32, #tpu.memory_space<hbm>>) target(%arg18 : memref<80x48xf32, #tpu.memory_space<vmem>>) offsets(%dma_start3A_567 : memref<80xi32, #tpu.memory_space<vmem>>) semaphore(%arg31 : memref<!tpu.dma_semaphore, #tpu.memory_space<semaphore_mem>>)
      } else {
      }
      %mul3A_350 = arith.constant 12 : i32
      %mul3A_351 = arith.muli %mul3A_350, %scan3A_211 : i32
      %add3A_352 = arith.constant 5 : i32
      %add3A_353 = arith.addi %mul3A_351, %add3A_352 : i32
      %dma_wait3A_354 = arith.constant 0 : i32
      %dma_wait3A_355 = tpu.memref_slice %arg6[%add3A_353, %dma_wait3A_354] : memref<125x80xi32, #tpu.memory_space<vmem>> -> memref<1x80xi32, #tpu.memory_space<vmem>>
      %dma_wait3A_356 = tpu.memref_squeeze %dma_wait3A_355 : memref<1x80xi32, #tpu.memory_space<vmem>> -> memref<80xi32, #tpu.memory_space<vmem>>
      %dma_wait3A_357 = arith.constant 0 : i32
      %dma_wait3A_358 = arith.constant 0 : i32
      %dma_wait3A_359 = tpu.memref_slice %arg3[%dma_wait3A_357, %dma_wait3A_358] : memref<10000x48xf32, #tpu.memory_space<hbm>> -> memref<10000x48xf32, #tpu.memory_space<hbm>>
      tpu.wait_indirect_dma semaphore(%arg26 : memref<!tpu.dma_semaphore, #tpu.memory_space<semaphore_mem>>) src(%dma_wait3A_359 : memref<10000x48xf32, #tpu.memory_space<hbm>>) dst(%arg13 : memref<80x48xf32, #tpu.memory_space<vmem>>)
      %dma_start3A_360 = arith.constant 0 : i32
      %dma_start3A_361 = tpu.memref_slice %arg7[%add3A_353, %dma_start3A_360] : memref<125x80xi32, #tpu.memory_space<vmem>> -> memref<1x80xi32, #tpu.memory_space<vmem>>
      %dma_start3A_362 = tpu.memref_squeeze %dma_start3A_361 : memref<1x80xi32, #tpu.memory_space<vmem>> -> memref<80xi32, #tpu.memory_space<vmem>>
      %dma_start3A_363 = arith.constant 0 : i32
      %dma_start3A_364 = arith.constant 0 : i32
      %dma_start3A_365 = tpu.memref_slice %arg20[%dma_start3A_363, %dma_start3A_364] : memref<10000x48xf32, #tpu.memory_space<vmem_shared>> -> memref<10000x48xf32, #tpu.memory_space<vmem_shared>>
      tpu.enqueue_indirect_dma source(%arg13 : memref<80x48xf32, #tpu.memory_space<vmem>>) target(%dma_start3A_365 : memref<10000x48xf32, #tpu.memory_space<vmem_shared>>) offsets(%dma_start3A_362 : memref<80xi32, #tpu.memory_space<vmem>>) semaphore(%arg38 : memref<!tpu.dma_semaphore, #tpu.memory_space<semaphore_mem>>) {add = true}
      %gt3A_366 = arith.constant 0 : i32
      %gt3A_367 = arith.cmpi sgt, %scan3A_211, %gt3A_366 : i32
      %convert_element_type3A_368 = arith.extui %gt3A_367 : i1 to i32
      %cond3A_369 = arith.constant 0 : i32
      %cond3A_370 = arith.cmpi ne, %convert_element_type3A_368, %cond3A_369 : i32
      scf.if %cond3A_370 {
        %sub3A_563 = arith.constant 6 : i32
        %sub3A_564 = arith.subi %add3A_353, %sub3A_563 : i32
        %dma_wait3A_565 = arith.constant 0 : i32
        %dma_wait3A_566 = tpu.memref_slice %arg7[%sub3A_564, %dma_wait3A_565] : memref<125x80xi32, #tpu.memory_space<vmem>> -> memref<1x80xi32, #tpu.memory_space<vmem>>
        %dma_wait3A_567 = tpu.memref_squeeze %dma_wait3A_566 : memref<1x80xi32, #tpu.memory_space<vmem>> -> memref<80xi32, #tpu.memory_space<vmem>>
        %dma_wait3A_568 = arith.constant 0 : i32
        %dma_wait3A_569 = arith.constant 0 : i32
        %dma_wait3A_570 = tpu.memref_slice %arg20[%dma_wait3A_568, %dma_wait3A_569] : memref<10000x48xf32, #tpu.memory_space<vmem_shared>> -> memref<10000x48xf32, #tpu.memory_space<vmem_shared>>
        tpu.wait_indirect_dma semaphore(%arg44 : memref<!tpu.dma_semaphore, #tpu.memory_space<semaphore_mem>>) src(%arg19 : memref<80x48xf32, #tpu.memory_space<vmem>>) dst(%dma_wait3A_570 : memref<10000x48xf32, #tpu.memory_space<vmem_shared>>)
      } else {
      }
      %add3A_371 = arith.constant 6 : i32
      %add3A_372 = arith.addi %add3A_353, %add3A_371 : i32
      %lt3A_373 = arith.constant 125 : i32
      %lt3A_374 = arith.cmpi slt, %add3A_372, %lt3A_373 : i32
      %convert_element_type3A_375 = arith.extui %lt3A_374 : i1 to i32
      %cond3A_376 = arith.constant 0 : i32
      %cond3A_377 = arith.cmpi ne, %convert_element_type3A_375, %cond3A_376 : i32
      scf.if %cond3A_377 {
        %add3A_563 = arith.constant 6 : i32
        %add3A_564 = arith.addi %add3A_353, %add3A_563 : i32
        %dma_start3A_565 = arith.constant 0 : i32
        %dma_start3A_566 = tpu.memref_slice %arg6[%add3A_564, %dma_start3A_565] : memref<125x80xi32, #tpu.memory_space<vmem>> -> memref<1x80xi32, #tpu.memory_space<vmem>>
        %dma_start3A_567 = tpu.memref_squeeze %dma_start3A_566 : memref<1x80xi32, #tpu.memory_space<vmem>> -> memref<80xi32, #tpu.memory_space<vmem>>
        %dma_start3A_568 = arith.constant 0 : i32
        %dma_start3A_569 = arith.constant 0 : i32
        %dma_start3A_570 = tpu.memref_slice %arg3[%dma_start3A_568, %dma_start3A_569] : memref<10000x48xf32, #tpu.memory_space<hbm>> -> memref<10000x48xf32, #tpu.memory_space<hbm>>
        tpu.enqueue_indirect_dma source(%dma_start3A_570 : memref<10000x48xf32, #tpu.memory_space<hbm>>) target(%arg19 : memref<80x48xf32, #tpu.memory_space<vmem>>) offsets(%dma_start3A_567 : memref<80xi32, #tpu.memory_space<vmem>>) semaphore(%arg32 : memref<!tpu.dma_semaphore, #tpu.memory_space<semaphore_mem>>)
      } else {
      }
      %mul3A_378 = arith.constant 12 : i32
      %mul3A_379 = arith.muli %mul3A_378, %scan3A_211 : i32
      %add3A_380 = arith.constant 6 : i32
      %add3A_381 = arith.addi %mul3A_379, %add3A_380 : i32
      %dma_wait3A_382 = arith.constant 0 : i32
      %dma_wait3A_383 = tpu.memref_slice %arg6[%add3A_381, %dma_wait3A_382] : memref<125x80xi32, #tpu.memory_space<vmem>> -> memref<1x80xi32, #tpu.memory_space<vmem>>
      %dma_wait3A_384 = tpu.memref_squeeze %dma_wait3A_383 : memref<1x80xi32, #tpu.memory_space<vmem>> -> memref<80xi32, #tpu.memory_space<vmem>>
      %dma_wait3A_385 = arith.constant 0 : i32
      %dma_wait3A_386 = arith.constant 0 : i32
      %dma_wait3A_387 = tpu.memref_slice %arg3[%dma_wait3A_385, %dma_wait3A_386] : memref<10000x48xf32, #tpu.memory_space<hbm>> -> memref<10000x48xf32, #tpu.memory_space<hbm>>
      tpu.wait_indirect_dma semaphore(%arg27 : memref<!tpu.dma_semaphore, #tpu.memory_space<semaphore_mem>>) src(%dma_wait3A_387 : memref<10000x48xf32, #tpu.memory_space<hbm>>) dst(%arg14 : memref<80x48xf32, #tpu.memory_space<vmem>>)
      %dma_start3A_388 = arith.constant 0 : i32
      %dma_start3A_389 = tpu.memref_slice %arg7[%add3A_381, %dma_start3A_388] : memref<125x80xi32, #tpu.memory_space<vmem>> -> memref<1x80xi32, #tpu.memory_space<vmem>>
      %dma_start3A_390 = tpu.memref_squeeze %dma_start3A_389 : memref<1x80xi32, #tpu.memory_space<vmem>> -> memref<80xi32, #tpu.memory_space<vmem>>
      %dma_start3A_391 = arith.constant 0 : i32
      %dma_start3A_392 = arith.constant 0 : i32
      %dma_start3A_393 = tpu.memref_slice %arg20[%dma_start3A_391, %dma_start3A_392] : memref<10000x48xf32, #tpu.memory_space<vmem_shared>> -> memref<10000x48xf32, #tpu.memory_space<vmem_shared>>
      tpu.enqueue_indirect_dma source(%arg14 : memref<80x48xf32, #tpu.memory_space<vmem>>) target(%dma_start3A_393 : memref<10000x48xf32, #tpu.memory_space<vmem_shared>>) offsets(%dma_start3A_390 : memref<80xi32, #tpu.memory_space<vmem>>) semaphore(%arg39 : memref<!tpu.dma_semaphore, #tpu.memory_space<semaphore_mem>>) {add = true}
      %sub3A = arith.constant 6 : i32
      %sub3A_394 = arith.subi %add3A_381, %sub3A : i32
      %dma_wait3A_395 = arith.constant 0 : i32
      %dma_wait3A_396 = tpu.memref_slice %arg7[%sub3A_394, %dma_wait3A_395] : memref<125x80xi32, #tpu.memory_space<vmem>> -> memref<1x80xi32, #tpu.memory_space<vmem>>
      %dma_wait3A_397 = tpu.memref_squeeze %dma_wait3A_396 : memref<1x80xi32, #tpu.memory_space<vmem>> -> memref<80xi32, #tpu.memory_space<vmem>>
      %dma_wait3A_398 = arith.constant 0 : i32
      %dma_wait3A_399 = arith.constant 0 : i32
      %dma_wait3A_400 = tpu.memref_slice %arg20[%dma_wait3A_398, %dma_wait3A_399] : memref<10000x48xf32, #tpu.memory_space<vmem_shared>> -> memref<10000x48xf32, #tpu.memory_space<vmem_shared>>
      tpu.wait_indirect_dma semaphore(%arg33 : memref<!tpu.dma_semaphore, #tpu.memory_space<semaphore_mem>>) src(%arg8 : memref<80x48xf32, #tpu.memory_space<vmem>>) dst(%dma_wait3A_400 : memref<10000x48xf32, #tpu.memory_space<vmem_shared>>)
      %add3A_401 = arith.constant 6 : i32
      %add3A_402 = arith.addi %add3A_381, %add3A_401 : i32
      %lt3A_403 = arith.constant 125 : i32
      %lt3A_404 = arith.cmpi slt, %add3A_402, %lt3A_403 : i32
      %convert_element_type3A_405 = arith.extui %lt3A_404 : i1 to i32
      %cond3A_406 = arith.constant 0 : i32
      %cond3A_407 = arith.cmpi ne, %convert_element_type3A_405, %cond3A_406 : i32
      scf.if %cond3A_407 {
        %add3A_563 = arith.constant 6 : i32
        %add3A_564 = arith.addi %add3A_381, %add3A_563 : i32
        %dma_start3A_565 = arith.constant 0 : i32
        %dma_start3A_566 = tpu.memref_slice %arg6[%add3A_564, %dma_start3A_565] : memref<125x80xi32, #tpu.memory_space<vmem>> -> memref<1x80xi32, #tpu.memory_space<vmem>>
        %dma_start3A_567 = tpu.memref_squeeze %dma_start3A_566 : memref<1x80xi32, #tpu.memory_space<vmem>> -> memref<80xi32, #tpu.memory_space<vmem>>
        %dma_start3A_568 = arith.constant 0 : i32
        %dma_start3A_569 = arith.constant 0 : i32
        %dma_start3A_570 = tpu.memref_slice %arg3[%dma_start3A_568, %dma_start3A_569] : memref<10000x48xf32, #tpu.memory_space<hbm>> -> memref<10000x48xf32, #tpu.memory_space<hbm>>
        tpu.enqueue_indirect_dma source(%dma_start3A_570 : memref<10000x48xf32, #tpu.memory_space<hbm>>) target(%arg8 : memref<80x48xf32, #tpu.memory_space<vmem>>) offsets(%dma_start3A_567 : memref<80xi32, #tpu.memory_space<vmem>>) semaphore(%arg21 : memref<!tpu.dma_semaphore, #tpu.memory_space<semaphore_mem>>)
      } else {
      }
      %mul3A_408 = arith.constant 12 : i32
      %mul3A_409 = arith.muli %mul3A_408, %scan3A_211 : i32
      %add3A_410 = arith.constant 7 : i32
      %add3A_411 = arith.addi %mul3A_409, %add3A_410 : i32
      %dma_wait3A_412 = arith.constant 0 : i32
      %dma_wait3A_413 = tpu.memref_slice %arg6[%add3A_411, %dma_wait3A_412] : memref<125x80xi32, #tpu.memory_space<vmem>> -> memref<1x80xi32, #tpu.memory_space<vmem>>
      %dma_wait3A_414 = tpu.memref_squeeze %dma_wait3A_413 : memref<1x80xi32, #tpu.memory_space<vmem>> -> memref<80xi32, #tpu.memory_space<vmem>>
      %dma_wait3A_415 = arith.constant 0 : i32
      %dma_wait3A_416 = arith.constant 0 : i32
      %dma_wait3A_417 = tpu.memref_slice %arg3[%dma_wait3A_415, %dma_wait3A_416] : memref<10000x48xf32, #tpu.memory_space<hbm>> -> memref<10000x48xf32, #tpu.memory_space<hbm>>
      tpu.wait_indirect_dma semaphore(%arg28 : memref<!tpu.dma_semaphore, #tpu.memory_space<semaphore_mem>>) src(%dma_wait3A_417 : memref<10000x48xf32, #tpu.memory_space<hbm>>) dst(%arg15 : memref<80x48xf32, #tpu.memory_space<vmem>>)
      %dma_start3A_418 = arith.constant 0 : i32
      %dma_start3A_419 = tpu.memref_slice %arg7[%add3A_411, %dma_start3A_418] : memref<125x80xi32, #tpu.memory_space<vmem>> -> memref<1x80xi32, #tpu.memory_space<vmem>>
      %dma_start3A_420 = tpu.memref_squeeze %dma_start3A_419 : memref<1x80xi32, #tpu.memory_space<vmem>> -> memref<80xi32, #tpu.memory_space<vmem>>
      %dma_start3A_421 = arith.constant 0 : i32
      %dma_start3A_422 = arith.constant 0 : i32
      %dma_start3A_423 = tpu.memref_slice %arg20[%dma_start3A_421, %dma_start3A_422] : memref<10000x48xf32, #tpu.memory_space<vmem_shared>> -> memref<10000x48xf32, #tpu.memory_space<vmem_shared>>
      tpu.enqueue_indirect_dma source(%arg15 : memref<80x48xf32, #tpu.memory_space<vmem>>) target(%dma_start3A_423 : memref<10000x48xf32, #tpu.memory_space<vmem_shared>>) offsets(%dma_start3A_420 : memref<80xi32, #tpu.memory_space<vmem>>) semaphore(%arg40 : memref<!tpu.dma_semaphore, #tpu.memory_space<semaphore_mem>>) {add = true}
      %sub3A_424 = arith.constant 6 : i32
      %sub3A_425 = arith.subi %add3A_411, %sub3A_424 : i32
      %dma_wait3A_426 = arith.constant 0 : i32
      %dma_wait3A_427 = tpu.memref_slice %arg7[%sub3A_425, %dma_wait3A_426] : memref<125x80xi32, #tpu.memory_space<vmem>> -> memref<1x80xi32, #tpu.memory_space<vmem>>
      %dma_wait3A_428 = tpu.memref_squeeze %dma_wait3A_427 : memref<1x80xi32, #tpu.memory_space<vmem>> -> memref<80xi32, #tpu.memory_space<vmem>>
      %dma_wait3A_429 = arith.constant 0 : i32
      %dma_wait3A_430 = arith.constant 0 : i32
      %dma_wait3A_431 = tpu.memref_slice %arg20[%dma_wait3A_429, %dma_wait3A_430] : memref<10000x48xf32, #tpu.memory_space<vmem_shared>> -> memref<10000x48xf32, #tpu.memory_space<vmem_shared>>
      tpu.wait_indirect_dma semaphore(%arg34 : memref<!tpu.dma_semaphore, #tpu.memory_space<semaphore_mem>>) src(%arg9 : memref<80x48xf32, #tpu.memory_space<vmem>>) dst(%dma_wait3A_431 : memref<10000x48xf32, #tpu.memory_space<vmem_shared>>)
      %add3A_432 = arith.constant 6 : i32
      %add3A_433 = arith.addi %add3A_411, %add3A_432 : i32
      %lt3A_434 = arith.constant 125 : i32
      %lt3A_435 = arith.cmpi slt, %add3A_433, %lt3A_434 : i32
      %convert_element_type3A_436 = arith.extui %lt3A_435 : i1 to i32
      %cond3A_437 = arith.constant 0 : i32
      %cond3A_438 = arith.cmpi ne, %convert_element_type3A_436, %cond3A_437 : i32
      scf.if %cond3A_438 {
        %add3A_563 = arith.constant 6 : i32
        %add3A_564 = arith.addi %add3A_411, %add3A_563 : i32
        %dma_start3A_565 = arith.constant 0 : i32
        %dma_start3A_566 = tpu.memref_slice %arg6[%add3A_564, %dma_start3A_565] : memref<125x80xi32, #tpu.memory_space<vmem>> -> memref<1x80xi32, #tpu.memory_space<vmem>>
        %dma_start3A_567 = tpu.memref_squeeze %dma_start3A_566 : memref<1x80xi32, #tpu.memory_space<vmem>> -> memref<80xi32, #tpu.memory_space<vmem>>
        %dma_start3A_568 = arith.constant 0 : i32
        %dma_start3A_569 = arith.constant 0 : i32
        %dma_start3A_570 = tpu.memref_slice %arg3[%dma_start3A_568, %dma_start3A_569] : memref<10000x48xf32, #tpu.memory_space<hbm>> -> memref<10000x48xf32, #tpu.memory_space<hbm>>
        tpu.enqueue_indirect_dma source(%dma_start3A_570 : memref<10000x48xf32, #tpu.memory_space<hbm>>) target(%arg9 : memref<80x48xf32, #tpu.memory_space<vmem>>) offsets(%dma_start3A_567 : memref<80xi32, #tpu.memory_space<vmem>>) semaphore(%arg22 : memref<!tpu.dma_semaphore, #tpu.memory_space<semaphore_mem>>)
      } else {
      }
      %mul3A_439 = arith.constant 12 : i32
      %mul3A_440 = arith.muli %mul3A_439, %scan3A_211 : i32
      %add3A_441 = arith.constant 8 : i32
      %add3A_442 = arith.addi %mul3A_440, %add3A_441 : i32
      %dma_wait3A_443 = arith.constant 0 : i32
      %dma_wait3A_444 = tpu.memref_slice %arg6[%add3A_442, %dma_wait3A_443] : memref<125x80xi32, #tpu.memory_space<vmem>> -> memref<1x80xi32, #tpu.memory_space<vmem>>
      %dma_wait3A_445 = tpu.memref_squeeze %dma_wait3A_444 : memref<1x80xi32, #tpu.memory_space<vmem>> -> memref<80xi32, #tpu.memory_space<vmem>>
      %dma_wait3A_446 = arith.constant 0 : i32
      %dma_wait3A_447 = arith.constant 0 : i32
      %dma_wait3A_448 = tpu.memref_slice %arg3[%dma_wait3A_446, %dma_wait3A_447] : memref<10000x48xf32, #tpu.memory_space<hbm>> -> memref<10000x48xf32, #tpu.memory_space<hbm>>
      tpu.wait_indirect_dma semaphore(%arg29 : memref<!tpu.dma_semaphore, #tpu.memory_space<semaphore_mem>>) src(%dma_wait3A_448 : memref<10000x48xf32, #tpu.memory_space<hbm>>) dst(%arg16 : memref<80x48xf32, #tpu.memory_space<vmem>>)
      %dma_start3A_449 = arith.constant 0 : i32
      %dma_start3A_450 = tpu.memref_slice %arg7[%add3A_442, %dma_start3A_449] : memref<125x80xi32, #tpu.memory_space<vmem>> -> memref<1x80xi32, #tpu.memory_space<vmem>>
      %dma_start3A_451 = tpu.memref_squeeze %dma_start3A_450 : memref<1x80xi32, #tpu.memory_space<vmem>> -> memref<80xi32, #tpu.memory_space<vmem>>
      %dma_start3A_452 = arith.constant 0 : i32
      %dma_start3A_453 = arith.constant 0 : i32
      %dma_start3A_454 = tpu.memref_slice %arg20[%dma_start3A_452, %dma_start3A_453] : memref<10000x48xf32, #tpu.memory_space<vmem_shared>> -> memref<10000x48xf32, #tpu.memory_space<vmem_shared>>
      tpu.enqueue_indirect_dma source(%arg16 : memref<80x48xf32, #tpu.memory_space<vmem>>) target(%dma_start3A_454 : memref<10000x48xf32, #tpu.memory_space<vmem_shared>>) offsets(%dma_start3A_451 : memref<80xi32, #tpu.memory_space<vmem>>) semaphore(%arg41 : memref<!tpu.dma_semaphore, #tpu.memory_space<semaphore_mem>>) {add = true}
      %sub3A_455 = arith.constant 6 : i32
      %sub3A_456 = arith.subi %add3A_442, %sub3A_455 : i32
      %dma_wait3A_457 = arith.constant 0 : i32
      %dma_wait3A_458 = tpu.memref_slice %arg7[%sub3A_456, %dma_wait3A_457] : memref<125x80xi32, #tpu.memory_space<vmem>> -> memref<1x80xi32, #tpu.memory_space<vmem>>
      %dma_wait3A_459 = tpu.memref_squeeze %dma_wait3A_458 : memref<1x80xi32, #tpu.memory_space<vmem>> -> memref<80xi32, #tpu.memory_space<vmem>>
      %dma_wait3A_460 = arith.constant 0 : i32
      %dma_wait3A_461 = arith.constant 0 : i32
      %dma_wait3A_462 = tpu.memref_slice %arg20[%dma_wait3A_460, %dma_wait3A_461] : memref<10000x48xf32, #tpu.memory_space<vmem_shared>> -> memref<10000x48xf32, #tpu.memory_space<vmem_shared>>
      tpu.wait_indirect_dma semaphore(%arg35 : memref<!tpu.dma_semaphore, #tpu.memory_space<semaphore_mem>>) src(%arg10 : memref<80x48xf32, #tpu.memory_space<vmem>>) dst(%dma_wait3A_462 : memref<10000x48xf32, #tpu.memory_space<vmem_shared>>)
      %add3A_463 = arith.constant 6 : i32
      %add3A_464 = arith.addi %add3A_442, %add3A_463 : i32
      %lt3A_465 = arith.constant 125 : i32
      %lt3A_466 = arith.cmpi slt, %add3A_464, %lt3A_465 : i32
      %convert_element_type3A_467 = arith.extui %lt3A_466 : i1 to i32
      %cond3A_468 = arith.constant 0 : i32
      %cond3A_469 = arith.cmpi ne, %convert_element_type3A_467, %cond3A_468 : i32
      scf.if %cond3A_469 {
        %add3A_563 = arith.constant 6 : i32
        %add3A_564 = arith.addi %add3A_442, %add3A_563 : i32
        %dma_start3A_565 = arith.constant 0 : i32
        %dma_start3A_566 = tpu.memref_slice %arg6[%add3A_564, %dma_start3A_565] : memref<125x80xi32, #tpu.memory_space<vmem>> -> memref<1x80xi32, #tpu.memory_space<vmem>>
        %dma_start3A_567 = tpu.memref_squeeze %dma_start3A_566 : memref<1x80xi32, #tpu.memory_space<vmem>> -> memref<80xi32, #tpu.memory_space<vmem>>
        %dma_start3A_568 = arith.constant 0 : i32
        %dma_start3A_569 = arith.constant 0 : i32
        %dma_start3A_570 = tpu.memref_slice %arg3[%dma_start3A_568, %dma_start3A_569] : memref<10000x48xf32, #tpu.memory_space<hbm>> -> memref<10000x48xf32, #tpu.memory_space<hbm>>
        tpu.enqueue_indirect_dma source(%dma_start3A_570 : memref<10000x48xf32, #tpu.memory_space<hbm>>) target(%arg10 : memref<80x48xf32, #tpu.memory_space<vmem>>) offsets(%dma_start3A_567 : memref<80xi32, #tpu.memory_space<vmem>>) semaphore(%arg23 : memref<!tpu.dma_semaphore, #tpu.memory_space<semaphore_mem>>)
      } else {
      }
      %mul3A_470 = arith.constant 12 : i32
      %mul3A_471 = arith.muli %mul3A_470, %scan3A_211 : i32
      %add3A_472 = arith.constant 9 : i32
      %add3A_473 = arith.addi %mul3A_471, %add3A_472 : i32
      %dma_wait3A_474 = arith.constant 0 : i32
      %dma_wait3A_475 = tpu.memref_slice %arg6[%add3A_473, %dma_wait3A_474] : memref<125x80xi32, #tpu.memory_space<vmem>> -> memref<1x80xi32, #tpu.memory_space<vmem>>
      %dma_wait3A_476 = tpu.memref_squeeze %dma_wait3A_475 : memref<1x80xi32, #tpu.memory_space<vmem>> -> memref<80xi32, #tpu.memory_space<vmem>>
      %dma_wait3A_477 = arith.constant 0 : i32
      %dma_wait3A_478 = arith.constant 0 : i32
      %dma_wait3A_479 = tpu.memref_slice %arg3[%dma_wait3A_477, %dma_wait3A_478] : memref<10000x48xf32, #tpu.memory_space<hbm>> -> memref<10000x48xf32, #tpu.memory_space<hbm>>
      tpu.wait_indirect_dma semaphore(%arg30 : memref<!tpu.dma_semaphore, #tpu.memory_space<semaphore_mem>>) src(%dma_wait3A_479 : memref<10000x48xf32, #tpu.memory_space<hbm>>) dst(%arg17 : memref<80x48xf32, #tpu.memory_space<vmem>>)
      %dma_start3A_480 = arith.constant 0 : i32
      %dma_start3A_481 = tpu.memref_slice %arg7[%add3A_473, %dma_start3A_480] : memref<125x80xi32, #tpu.memory_space<vmem>> -> memref<1x80xi32, #tpu.memory_space<vmem>>
      %dma_start3A_482 = tpu.memref_squeeze %dma_start3A_481 : memref<1x80xi32, #tpu.memory_space<vmem>> -> memref<80xi32, #tpu.memory_space<vmem>>
      %dma_start3A_483 = arith.constant 0 : i32
      %dma_start3A_484 = arith.constant 0 : i32
      %dma_start3A_485 = tpu.memref_slice %arg20[%dma_start3A_483, %dma_start3A_484] : memref<10000x48xf32, #tpu.memory_space<vmem_shared>> -> memref<10000x48xf32, #tpu.memory_space<vmem_shared>>
      tpu.enqueue_indirect_dma source(%arg17 : memref<80x48xf32, #tpu.memory_space<vmem>>) target(%dma_start3A_485 : memref<10000x48xf32, #tpu.memory_space<vmem_shared>>) offsets(%dma_start3A_482 : memref<80xi32, #tpu.memory_space<vmem>>) semaphore(%arg42 : memref<!tpu.dma_semaphore, #tpu.memory_space<semaphore_mem>>) {add = true}
      %sub3A_486 = arith.constant 6 : i32
      %sub3A_487 = arith.subi %add3A_473, %sub3A_486 : i32
      %dma_wait3A_488 = arith.constant 0 : i32
      %dma_wait3A_489 = tpu.memref_slice %arg7[%sub3A_487, %dma_wait3A_488] : memref<125x80xi32, #tpu.memory_space<vmem>> -> memref<1x80xi32, #tpu.memory_space<vmem>>
      %dma_wait3A_490 = tpu.memref_squeeze %dma_wait3A_489 : memref<1x80xi32, #tpu.memory_space<vmem>> -> memref<80xi32, #tpu.memory_space<vmem>>
      %dma_wait3A_491 = arith.constant 0 : i32
      %dma_wait3A_492 = arith.constant 0 : i32
      %dma_wait3A_493 = tpu.memref_slice %arg20[%dma_wait3A_491, %dma_wait3A_492] : memref<10000x48xf32, #tpu.memory_space<vmem_shared>> -> memref<10000x48xf32, #tpu.memory_space<vmem_shared>>
      tpu.wait_indirect_dma semaphore(%arg36 : memref<!tpu.dma_semaphore, #tpu.memory_space<semaphore_mem>>) src(%arg11 : memref<80x48xf32, #tpu.memory_space<vmem>>) dst(%dma_wait3A_493 : memref<10000x48xf32, #tpu.memory_space<vmem_shared>>)
      %add3A_494 = arith.constant 6 : i32
      %add3A_495 = arith.addi %add3A_473, %add3A_494 : i32
      %lt3A_496 = arith.constant 125 : i32
      %lt3A_497 = arith.cmpi slt, %add3A_495, %lt3A_496 : i32
      %convert_element_type3A_498 = arith.extui %lt3A_497 : i1 to i32
      %cond3A_499 = arith.constant 0 : i32
      %cond3A_500 = arith.cmpi ne, %convert_element_type3A_498, %cond3A_499 : i32
      scf.if %cond3A_500 {
        %add3A_563 = arith.constant 6 : i32
        %add3A_564 = arith.addi %add3A_473, %add3A_563 : i32
        %dma_start3A_565 = arith.constant 0 : i32
        %dma_start3A_566 = tpu.memref_slice %arg6[%add3A_564, %dma_start3A_565] : memref<125x80xi32, #tpu.memory_space<vmem>> -> memref<1x80xi32, #tpu.memory_space<vmem>>
        %dma_start3A_567 = tpu.memref_squeeze %dma_start3A_566 : memref<1x80xi32, #tpu.memory_space<vmem>> -> memref<80xi32, #tpu.memory_space<vmem>>
        %dma_start3A_568 = arith.constant 0 : i32
        %dma_start3A_569 = arith.constant 0 : i32
        %dma_start3A_570 = tpu.memref_slice %arg3[%dma_start3A_568, %dma_start3A_569] : memref<10000x48xf32, #tpu.memory_space<hbm>> -> memref<10000x48xf32, #tpu.memory_space<hbm>>
        tpu.enqueue_indirect_dma source(%dma_start3A_570 : memref<10000x48xf32, #tpu.memory_space<hbm>>) target(%arg11 : memref<80x48xf32, #tpu.memory_space<vmem>>) offsets(%dma_start3A_567 : memref<80xi32, #tpu.memory_space<vmem>>) semaphore(%arg24 : memref<!tpu.dma_semaphore, #tpu.memory_space<semaphore_mem>>)
      } else {
      }
      %mul3A_501 = arith.constant 12 : i32
      %mul3A_502 = arith.muli %mul3A_501, %scan3A_211 : i32
      %add3A_503 = arith.constant 10 : i32
      %add3A_504 = arith.addi %mul3A_502, %add3A_503 : i32
      %dma_wait3A_505 = arith.constant 0 : i32
      %dma_wait3A_506 = tpu.memref_slice %arg6[%add3A_504, %dma_wait3A_505] : memref<125x80xi32, #tpu.memory_space<vmem>> -> memref<1x80xi32, #tpu.memory_space<vmem>>
      %dma_wait3A_507 = tpu.memref_squeeze %dma_wait3A_506 : memref<1x80xi32, #tpu.memory_space<vmem>> -> memref<80xi32, #tpu.memory_space<vmem>>
      %dma_wait3A_508 = arith.constant 0 : i32
      %dma_wait3A_509 = arith.constant 0 : i32
      %dma_wait3A_510 = tpu.memref_slice %arg3[%dma_wait3A_508, %dma_wait3A_509] : memref<10000x48xf32, #tpu.memory_space<hbm>> -> memref<10000x48xf32, #tpu.memory_space<hbm>>
      tpu.wait_indirect_dma semaphore(%arg31 : memref<!tpu.dma_semaphore, #tpu.memory_space<semaphore_mem>>) src(%dma_wait3A_510 : memref<10000x48xf32, #tpu.memory_space<hbm>>) dst(%arg18 : memref<80x48xf32, #tpu.memory_space<vmem>>)
      %dma_start3A_511 = arith.constant 0 : i32
      %dma_start3A_512 = tpu.memref_slice %arg7[%add3A_504, %dma_start3A_511] : memref<125x80xi32, #tpu.memory_space<vmem>> -> memref<1x80xi32, #tpu.memory_space<vmem>>
      %dma_start3A_513 = tpu.memref_squeeze %dma_start3A_512 : memref<1x80xi32, #tpu.memory_space<vmem>> -> memref<80xi32, #tpu.memory_space<vmem>>
      %dma_start3A_514 = arith.constant 0 : i32
      %dma_start3A_515 = arith.constant 0 : i32
      %dma_start3A_516 = tpu.memref_slice %arg20[%dma_start3A_514, %dma_start3A_515] : memref<10000x48xf32, #tpu.memory_space<vmem_shared>> -> memref<10000x48xf32, #tpu.memory_space<vmem_shared>>
      tpu.enqueue_indirect_dma source(%arg18 : memref<80x48xf32, #tpu.memory_space<vmem>>) target(%dma_start3A_516 : memref<10000x48xf32, #tpu.memory_space<vmem_shared>>) offsets(%dma_start3A_513 : memref<80xi32, #tpu.memory_space<vmem>>) semaphore(%arg43 : memref<!tpu.dma_semaphore, #tpu.memory_space<semaphore_mem>>) {add = true}
      %sub3A_517 = arith.constant 6 : i32
      %sub3A_518 = arith.subi %add3A_504, %sub3A_517 : i32
      %dma_wait3A_519 = arith.constant 0 : i32
      %dma_wait3A_520 = tpu.memref_slice %arg7[%sub3A_518, %dma_wait3A_519] : memref<125x80xi32, #tpu.memory_space<vmem>> -> memref<1x80xi32, #tpu.memory_space<vmem>>
      %dma_wait3A_521 = tpu.memref_squeeze %dma_wait3A_520 : memref<1x80xi32, #tpu.memory_space<vmem>> -> memref<80xi32, #tpu.memory_space<vmem>>
      %dma_wait3A_522 = arith.constant 0 : i32
      %dma_wait3A_523 = arith.constant 0 : i32
      %dma_wait3A_524 = tpu.memref_slice %arg20[%dma_wait3A_522, %dma_wait3A_523] : memref<10000x48xf32, #tpu.memory_space<vmem_shared>> -> memref<10000x48xf32, #tpu.memory_space<vmem_shared>>
      tpu.wait_indirect_dma semaphore(%arg37 : memref<!tpu.dma_semaphore, #tpu.memory_space<semaphore_mem>>) src(%arg12 : memref<80x48xf32, #tpu.memory_space<vmem>>) dst(%dma_wait3A_524 : memref<10000x48xf32, #tpu.memory_space<vmem_shared>>)
      %add3A_525 = arith.constant 6 : i32
      %add3A_526 = arith.addi %add3A_504, %add3A_525 : i32
      %lt3A_527 = arith.constant 125 : i32
      %lt3A_528 = arith.cmpi slt, %add3A_526, %lt3A_527 : i32
      %convert_element_type3A_529 = arith.extui %lt3A_528 : i1 to i32
      %cond3A_530 = arith.constant 0 : i32
      %cond3A_531 = arith.cmpi ne, %convert_element_type3A_529, %cond3A_530 : i32
      scf.if %cond3A_531 {
        %add3A_563 = arith.constant 6 : i32
        %add3A_564 = arith.addi %add3A_504, %add3A_563 : i32
        %dma_start3A_565 = arith.constant 0 : i32
        %dma_start3A_566 = tpu.memref_slice %arg6[%add3A_564, %dma_start3A_565] : memref<125x80xi32, #tpu.memory_space<vmem>> -> memref<1x80xi32, #tpu.memory_space<vmem>>
        %dma_start3A_567 = tpu.memref_squeeze %dma_start3A_566 : memref<1x80xi32, #tpu.memory_space<vmem>> -> memref<80xi32, #tpu.memory_space<vmem>>
        %dma_start3A_568 = arith.constant 0 : i32
        %dma_start3A_569 = arith.constant 0 : i32
        %dma_start3A_570 = tpu.memref_slice %arg3[%dma_start3A_568, %dma_start3A_569] : memref<10000x48xf32, #tpu.memory_space<hbm>> -> memref<10000x48xf32, #tpu.memory_space<hbm>>
        tpu.enqueue_indirect_dma source(%dma_start3A_570 : memref<10000x48xf32, #tpu.memory_space<hbm>>) target(%arg12 : memref<80x48xf32, #tpu.memory_space<vmem>>) offsets(%dma_start3A_567 : memref<80xi32, #tpu.memory_space<vmem>>) semaphore(%arg25 : memref<!tpu.dma_semaphore, #tpu.memory_space<semaphore_mem>>)
      } else {
      }
      %mul3A_532 = arith.constant 12 : i32
      %mul3A_533 = arith.muli %mul3A_532, %scan3A_211 : i32
      %add3A_534 = arith.constant 11 : i32
      %add3A_535 = arith.addi %mul3A_533, %add3A_534 : i32
      %dma_wait3A_536 = arith.constant 0 : i32
      %dma_wait3A_537 = tpu.memref_slice %arg6[%add3A_535, %dma_wait3A_536] : memref<125x80xi32, #tpu.memory_space<vmem>> -> memref<1x80xi32, #tpu.memory_space<vmem>>
      %dma_wait3A_538 = tpu.memref_squeeze %dma_wait3A_537 : memref<1x80xi32, #tpu.memory_space<vmem>> -> memref<80xi32, #tpu.memory_space<vmem>>
      %dma_wait3A_539 = arith.constant 0 : i32
      %dma_wait3A_540 = arith.constant 0 : i32
      %dma_wait3A_541 = tpu.memref_slice %arg3[%dma_wait3A_539, %dma_wait3A_540] : memref<10000x48xf32, #tpu.memory_space<hbm>> -> memref<10000x48xf32, #tpu.memory_space<hbm>>
      tpu.wait_indirect_dma semaphore(%arg32 : memref<!tpu.dma_semaphore, #tpu.memory_space<semaphore_mem>>) src(%dma_wait3A_541 : memref<10000x48xf32, #tpu.memory_space<hbm>>) dst(%arg19 : memref<80x48xf32, #tpu.memory_space<vmem>>)
      %dma_start3A_542 = arith.constant 0 : i32
      %dma_start3A_543 = tpu.memref_slice %arg7[%add3A_535, %dma_start3A_542] : memref<125x80xi32, #tpu.memory_space<vmem>> -> memref<1x80xi32, #tpu.memory_space<vmem>>
      %dma_start3A_544 = tpu.memref_squeeze %dma_start3A_543 : memref<1x80xi32, #tpu.memory_space<vmem>> -> memref<80xi32, #tpu.memory_space<vmem>>
      %dma_start3A_545 = arith.constant 0 : i32
      %dma_start3A_546 = arith.constant 0 : i32
      %dma_start3A_547 = tpu.memref_slice %arg20[%dma_start3A_545, %dma_start3A_546] : memref<10000x48xf32, #tpu.memory_space<vmem_shared>> -> memref<10000x48xf32, #tpu.memory_space<vmem_shared>>
      tpu.enqueue_indirect_dma source(%arg19 : memref<80x48xf32, #tpu.memory_space<vmem>>) target(%dma_start3A_547 : memref<10000x48xf32, #tpu.memory_space<vmem_shared>>) offsets(%dma_start3A_544 : memref<80xi32, #tpu.memory_space<vmem>>) semaphore(%arg44 : memref<!tpu.dma_semaphore, #tpu.memory_space<semaphore_mem>>) {add = true}
      %sub3A_548 = arith.constant 6 : i32
      %sub3A_549 = arith.subi %add3A_535, %sub3A_548 : i32
      %dma_wait3A_550 = arith.constant 0 : i32
      %dma_wait3A_551 = tpu.memref_slice %arg7[%sub3A_549, %dma_wait3A_550] : memref<125x80xi32, #tpu.memory_space<vmem>> -> memref<1x80xi32, #tpu.memory_space<vmem>>
      %dma_wait3A_552 = tpu.memref_squeeze %dma_wait3A_551 : memref<1x80xi32, #tpu.memory_space<vmem>> -> memref<80xi32, #tpu.memory_space<vmem>>
      %dma_wait3A_553 = arith.constant 0 : i32
      %dma_wait3A_554 = arith.constant 0 : i32
      %dma_wait3A_555 = tpu.memref_slice %arg20[%dma_wait3A_553, %dma_wait3A_554] : memref<10000x48xf32, #tpu.memory_space<vmem_shared>> -> memref<10000x48xf32, #tpu.memory_space<vmem_shared>>
      tpu.wait_indirect_dma semaphore(%arg38 : memref<!tpu.dma_semaphore, #tpu.memory_space<semaphore_mem>>) src(%arg13 : memref<80x48xf32, #tpu.memory_space<vmem>>) dst(%dma_wait3A_555 : memref<10000x48xf32, #tpu.memory_space<vmem_shared>>)
      %add3A_556 = arith.constant 6 : i32
      %add3A_557 = arith.addi %add3A_535, %add3A_556 : i32
      %lt3A_558 = arith.constant 125 : i32
      %lt3A_559 = arith.cmpi slt, %add3A_557, %lt3A_558 : i32
      %convert_element_type3A_560 = arith.extui %lt3A_559 : i1 to i32
      %cond3A_561 = arith.constant 0 : i32
      %cond3A_562 = arith.cmpi ne, %convert_element_type3A_560, %cond3A_561 : i32
      scf.if %cond3A_562 {
        %add3A_563 = arith.constant 6 : i32
        %add3A_564 = arith.addi %add3A_535, %add3A_563 : i32
        %dma_start3A_565 = arith.constant 0 : i32
        %dma_start3A_566 = tpu.memref_slice %arg6[%add3A_564, %dma_start3A_565] : memref<125x80xi32, #tpu.memory_space<vmem>> -> memref<1x80xi32, #tpu.memory_space<vmem>>
        %dma_start3A_567 = tpu.memref_squeeze %dma_start3A_566 : memref<1x80xi32, #tpu.memory_space<vmem>> -> memref<80xi32, #tpu.memory_space<vmem>>
        %dma_start3A_568 = arith.constant 0 : i32
        %dma_start3A_569 = arith.constant 0 : i32
        %dma_start3A_570 = tpu.memref_slice %arg3[%dma_start3A_568, %dma_start3A_569] : memref<10000x48xf32, #tpu.memory_space<hbm>> -> memref<10000x48xf32, #tpu.memory_space<hbm>>
        tpu.enqueue_indirect_dma source(%dma_start3A_570 : memref<10000x48xf32, #tpu.memory_space<hbm>>) target(%arg13 : memref<80x48xf32, #tpu.memory_space<vmem>>) offsets(%dma_start3A_567 : memref<80xi32, #tpu.memory_space<vmem>>) semaphore(%arg26 : memref<!tpu.dma_semaphore, #tpu.memory_space<semaphore_mem>>)
      } else {
      }
    }
    %scan3A_51 = arith.constant 10 : i32
    %dma_wait3A = arith.constant 120 : i32
    %dma_wait3A_52 = arith.constant 0 : i32
    %dma_wait3A_53 = tpu.memref_slice %arg6[%dma_wait3A, %dma_wait3A_52] : memref<125x80xi32, #tpu.memory_space<vmem>> -> memref<1x80xi32, #tpu.memory_space<vmem>>
    %dma_wait3A_54 = tpu.memref_squeeze %dma_wait3A_53 : memref<1x80xi32, #tpu.memory_space<vmem>> -> memref<80xi32, #tpu.memory_space<vmem>>
    %dma_wait3A_55 = arith.constant 0 : i32
    %dma_wait3A_56 = arith.constant 0 : i32
    %dma_wait3A_57 = tpu.memref_slice %arg3[%dma_wait3A_55, %dma_wait3A_56] : memref<10000x48xf32, #tpu.memory_space<hbm>> -> memref<10000x48xf32, #tpu.memory_space<hbm>>
    tpu.wait_indirect_dma semaphore(%arg21 : memref<!tpu.dma_semaphore, #tpu.memory_space<semaphore_mem>>) src(%dma_wait3A_57 : memref<10000x48xf32, #tpu.memory_space<hbm>>) dst(%arg8 : memref<80x48xf32, #tpu.memory_space<vmem>>)
    %dma_start3A_58 = arith.constant 120 : i32
    %dma_start3A_59 = arith.constant 0 : i32
    %dma_start3A_60 = tpu.memref_slice %arg7[%dma_start3A_58, %dma_start3A_59] : memref<125x80xi32, #tpu.memory_space<vmem>> -> memref<1x80xi32, #tpu.memory_space<vmem>>
    %dma_start3A_61 = tpu.memref_squeeze %dma_start3A_60 : memref<1x80xi32, #tpu.memory_space<vmem>> -> memref<80xi32, #tpu.memory_space<vmem>>
    %dma_start3A_62 = arith.constant 0 : i32
    %dma_start3A_63 = arith.constant 0 : i32
    %dma_start3A_64 = tpu.memref_slice %arg20[%dma_start3A_62, %dma_start3A_63] : memref<10000x48xf32, #tpu.memory_space<vmem_shared>> -> memref<10000x48xf32, #tpu.memory_space<vmem_shared>>
    tpu.enqueue_indirect_dma source(%arg8 : memref<80x48xf32, #tpu.memory_space<vmem>>) target(%dma_start3A_64 : memref<10000x48xf32, #tpu.memory_space<vmem_shared>>) offsets(%dma_start3A_61 : memref<80xi32, #tpu.memory_space<vmem>>) semaphore(%arg33 : memref<!tpu.dma_semaphore, #tpu.memory_space<semaphore_mem>>) {add = true}
    %dma_wait3A_65 = arith.constant 114 : i32
    %dma_wait3A_66 = arith.constant 0 : i32
    %dma_wait3A_67 = tpu.memref_slice %arg7[%dma_wait3A_65, %dma_wait3A_66] : memref<125x80xi32, #tpu.memory_space<vmem>> -> memref<1x80xi32, #tpu.memory_space<vmem>>
    %dma_wait3A_68 = tpu.memref_squeeze %dma_wait3A_67 : memref<1x80xi32, #tpu.memory_space<vmem>> -> memref<80xi32, #tpu.memory_space<vmem>>
    %dma_wait3A_69 = arith.constant 0 : i32
    %dma_wait3A_70 = arith.constant 0 : i32
    %dma_wait3A_71 = tpu.memref_slice %arg20[%dma_wait3A_69, %dma_wait3A_70] : memref<10000x48xf32, #tpu.memory_space<vmem_shared>> -> memref<10000x48xf32, #tpu.memory_space<vmem_shared>>
    tpu.wait_indirect_dma semaphore(%arg39 : memref<!tpu.dma_semaphore, #tpu.memory_space<semaphore_mem>>) src(%arg14 : memref<80x48xf32, #tpu.memory_space<vmem>>) dst(%dma_wait3A_71 : memref<10000x48xf32, #tpu.memory_space<vmem_shared>>)
    %dma_wait3A_72 = arith.constant 121 : i32
    %dma_wait3A_73 = arith.constant 0 : i32
    %dma_wait3A_74 = tpu.memref_slice %arg6[%dma_wait3A_72, %dma_wait3A_73] : memref<125x80xi32, #tpu.memory_space<vmem>> -> memref<1x80xi32, #tpu.memory_space<vmem>>
    %dma_wait3A_75 = tpu.memref_squeeze %dma_wait3A_74 : memref<1x80xi32, #tpu.memory_space<vmem>> -> memref<80xi32, #tpu.memory_space<vmem>>
    %dma_wait3A_76 = arith.constant 0 : i32
    %dma_wait3A_77 = arith.constant 0 : i32
    %dma_wait3A_78 = tpu.memref_slice %arg3[%dma_wait3A_76, %dma_wait3A_77] : memref<10000x48xf32, #tpu.memory_space<hbm>> -> memref<10000x48xf32, #tpu.memory_space<hbm>>
    tpu.wait_indirect_dma semaphore(%arg22 : memref<!tpu.dma_semaphore, #tpu.memory_space<semaphore_mem>>) src(%dma_wait3A_78 : memref<10000x48xf32, #tpu.memory_space<hbm>>) dst(%arg9 : memref<80x48xf32, #tpu.memory_space<vmem>>)
    %dma_start3A_79 = arith.constant 121 : i32
    %dma_start3A_80 = arith.constant 0 : i32
    %dma_start3A_81 = tpu.memref_slice %arg7[%dma_start3A_79, %dma_start3A_80] : memref<125x80xi32, #tpu.memory_space<vmem>> -> memref<1x80xi32, #tpu.memory_space<vmem>>
    %dma_start3A_82 = tpu.memref_squeeze %dma_start3A_81 : memref<1x80xi32, #tpu.memory_space<vmem>> -> memref<80xi32, #tpu.memory_space<vmem>>
    %dma_start3A_83 = arith.constant 0 : i32
    %dma_start3A_84 = arith.constant 0 : i32
    %dma_start3A_85 = tpu.memref_slice %arg20[%dma_start3A_83, %dma_start3A_84] : memref<10000x48xf32, #tpu.memory_space<vmem_shared>> -> memref<10000x48xf32, #tpu.memory_space<vmem_shared>>
    tpu.enqueue_indirect_dma source(%arg9 : memref<80x48xf32, #tpu.memory_space<vmem>>) target(%dma_start3A_85 : memref<10000x48xf32, #tpu.memory_space<vmem_shared>>) offsets(%dma_start3A_82 : memref<80xi32, #tpu.memory_space<vmem>>) semaphore(%arg34 : memref<!tpu.dma_semaphore, #tpu.memory_space<semaphore_mem>>) {add = true}
    %dma_wait3A_86 = arith.constant 115 : i32
    %dma_wait3A_87 = arith.constant 0 : i32
    %dma_wait3A_88 = tpu.memref_slice %arg7[%dma_wait3A_86, %dma_wait3A_87] : memref<125x80xi32, #tpu.memory_space<vmem>> -> memref<1x80xi32, #tpu.memory_space<vmem>>
    %dma_wait3A_89 = tpu.memref_squeeze %dma_wait3A_88 : memref<1x80xi32, #tpu.memory_space<vmem>> -> memref<80xi32, #tpu.memory_space<vmem>>
    %dma_wait3A_90 = arith.constant 0 : i32
    %dma_wait3A_91 = arith.constant 0 : i32
    %dma_wait3A_92 = tpu.memref_slice %arg20[%dma_wait3A_90, %dma_wait3A_91] : memref<10000x48xf32, #tpu.memory_space<vmem_shared>> -> memref<10000x48xf32, #tpu.memory_space<vmem_shared>>
    tpu.wait_indirect_dma semaphore(%arg40 : memref<!tpu.dma_semaphore, #tpu.memory_space<semaphore_mem>>) src(%arg15 : memref<80x48xf32, #tpu.memory_space<vmem>>) dst(%dma_wait3A_92 : memref<10000x48xf32, #tpu.memory_space<vmem_shared>>)
    %dma_wait3A_93 = arith.constant 122 : i32
    %dma_wait3A_94 = arith.constant 0 : i32
    %dma_wait3A_95 = tpu.memref_slice %arg6[%dma_wait3A_93, %dma_wait3A_94] : memref<125x80xi32, #tpu.memory_space<vmem>> -> memref<1x80xi32, #tpu.memory_space<vmem>>
    %dma_wait3A_96 = tpu.memref_squeeze %dma_wait3A_95 : memref<1x80xi32, #tpu.memory_space<vmem>> -> memref<80xi32, #tpu.memory_space<vmem>>
    %dma_wait3A_97 = arith.constant 0 : i32
    %dma_wait3A_98 = arith.constant 0 : i32
    %dma_wait3A_99 = tpu.memref_slice %arg3[%dma_wait3A_97, %dma_wait3A_98] : memref<10000x48xf32, #tpu.memory_space<hbm>> -> memref<10000x48xf32, #tpu.memory_space<hbm>>
    tpu.wait_indirect_dma semaphore(%arg23 : memref<!tpu.dma_semaphore, #tpu.memory_space<semaphore_mem>>) src(%dma_wait3A_99 : memref<10000x48xf32, #tpu.memory_space<hbm>>) dst(%arg10 : memref<80x48xf32, #tpu.memory_space<vmem>>)
    %dma_start3A_100 = arith.constant 122 : i32
    %dma_start3A_101 = arith.constant 0 : i32
    %dma_start3A_102 = tpu.memref_slice %arg7[%dma_start3A_100, %dma_start3A_101] : memref<125x80xi32, #tpu.memory_space<vmem>> -> memref<1x80xi32, #tpu.memory_space<vmem>>
    %dma_start3A_103 = tpu.memref_squeeze %dma_start3A_102 : memref<1x80xi32, #tpu.memory_space<vmem>> -> memref<80xi32, #tpu.memory_space<vmem>>
    %dma_start3A_104 = arith.constant 0 : i32
    %dma_start3A_105 = arith.constant 0 : i32
    %dma_start3A_106 = tpu.memref_slice %arg20[%dma_start3A_104, %dma_start3A_105] : memref<10000x48xf32, #tpu.memory_space<vmem_shared>> -> memref<10000x48xf32, #tpu.memory_space<vmem_shared>>
    tpu.enqueue_indirect_dma source(%arg10 : memref<80x48xf32, #tpu.memory_space<vmem>>) target(%dma_start3A_106 : memref<10000x48xf32, #tpu.memory_space<vmem_shared>>) offsets(%dma_start3A_103 : memref<80xi32, #tpu.memory_space<vmem>>) semaphore(%arg35 : memref<!tpu.dma_semaphore, #tpu.memory_space<semaphore_mem>>) {add = true}
    %dma_wait3A_107 = arith.constant 116 : i32
    %dma_wait3A_108 = arith.constant 0 : i32
    %dma_wait3A_109 = tpu.memref_slice %arg7[%dma_wait3A_107, %dma_wait3A_108] : memref<125x80xi32, #tpu.memory_space<vmem>> -> memref<1x80xi32, #tpu.memory_space<vmem>>
    %dma_wait3A_110 = tpu.memref_squeeze %dma_wait3A_109 : memref<1x80xi32, #tpu.memory_space<vmem>> -> memref<80xi32, #tpu.memory_space<vmem>>
    %dma_wait3A_111 = arith.constant 0 : i32
    %dma_wait3A_112 = arith.constant 0 : i32
    %dma_wait3A_113 = tpu.memref_slice %arg20[%dma_wait3A_111, %dma_wait3A_112] : memref<10000x48xf32, #tpu.memory_space<vmem_shared>> -> memref<10000x48xf32, #tpu.memory_space<vmem_shared>>
    tpu.wait_indirect_dma semaphore(%arg41 : memref<!tpu.dma_semaphore, #tpu.memory_space<semaphore_mem>>) src(%arg16 : memref<80x48xf32, #tpu.memory_space<vmem>>) dst(%dma_wait3A_113 : memref<10000x48xf32, #tpu.memory_space<vmem_shared>>)
    %dma_wait3A_114 = arith.constant 123 : i32
    %dma_wait3A_115 = arith.constant 0 : i32
    %dma_wait3A_116 = tpu.memref_slice %arg6[%dma_wait3A_114, %dma_wait3A_115] : memref<125x80xi32, #tpu.memory_space<vmem>> -> memref<1x80xi32, #tpu.memory_space<vmem>>
    %dma_wait3A_117 = tpu.memref_squeeze %dma_wait3A_116 : memref<1x80xi32, #tpu.memory_space<vmem>> -> memref<80xi32, #tpu.memory_space<vmem>>
    %dma_wait3A_118 = arith.constant 0 : i32
    %dma_wait3A_119 = arith.constant 0 : i32
    %dma_wait3A_120 = tpu.memref_slice %arg3[%dma_wait3A_118, %dma_wait3A_119] : memref<10000x48xf32, #tpu.memory_space<hbm>> -> memref<10000x48xf32, #tpu.memory_space<hbm>>
    tpu.wait_indirect_dma semaphore(%arg24 : memref<!tpu.dma_semaphore, #tpu.memory_space<semaphore_mem>>) src(%dma_wait3A_120 : memref<10000x48xf32, #tpu.memory_space<hbm>>) dst(%arg11 : memref<80x48xf32, #tpu.memory_space<vmem>>)
    %dma_start3A_121 = arith.constant 123 : i32
    %dma_start3A_122 = arith.constant 0 : i32
    %dma_start3A_123 = tpu.memref_slice %arg7[%dma_start3A_121, %dma_start3A_122] : memref<125x80xi32, #tpu.memory_space<vmem>> -> memref<1x80xi32, #tpu.memory_space<vmem>>
    %dma_start3A_124 = tpu.memref_squeeze %dma_start3A_123 : memref<1x80xi32, #tpu.memory_space<vmem>> -> memref<80xi32, #tpu.memory_space<vmem>>
    %dma_start3A_125 = arith.constant 0 : i32
    %dma_start3A_126 = arith.constant 0 : i32
    %dma_start3A_127 = tpu.memref_slice %arg20[%dma_start3A_125, %dma_start3A_126] : memref<10000x48xf32, #tpu.memory_space<vmem_shared>> -> memref<10000x48xf32, #tpu.memory_space<vmem_shared>>
    tpu.enqueue_indirect_dma source(%arg11 : memref<80x48xf32, #tpu.memory_space<vmem>>) target(%dma_start3A_127 : memref<10000x48xf32, #tpu.memory_space<vmem_shared>>) offsets(%dma_start3A_124 : memref<80xi32, #tpu.memory_space<vmem>>) semaphore(%arg36 : memref<!tpu.dma_semaphore, #tpu.memory_space<semaphore_mem>>) {add = true}
    %dma_wait3A_128 = arith.constant 117 : i32
    %dma_wait3A_129 = arith.constant 0 : i32
    %dma_wait3A_130 = tpu.memref_slice %arg7[%dma_wait3A_128, %dma_wait3A_129] : memref<125x80xi32, #tpu.memory_space<vmem>> -> memref<1x80xi32, #tpu.memory_space<vmem>>
    %dma_wait3A_131 = tpu.memref_squeeze %dma_wait3A_130 : memref<1x80xi32, #tpu.memory_space<vmem>> -> memref<80xi32, #tpu.memory_space<vmem>>
    %dma_wait3A_132 = arith.constant 0 : i32
    %dma_wait3A_133 = arith.constant 0 : i32
    %dma_wait3A_134 = tpu.memref_slice %arg20[%dma_wait3A_132, %dma_wait3A_133] : memref<10000x48xf32, #tpu.memory_space<vmem_shared>> -> memref<10000x48xf32, #tpu.memory_space<vmem_shared>>
    tpu.wait_indirect_dma semaphore(%arg42 : memref<!tpu.dma_semaphore, #tpu.memory_space<semaphore_mem>>) src(%arg17 : memref<80x48xf32, #tpu.memory_space<vmem>>) dst(%dma_wait3A_134 : memref<10000x48xf32, #tpu.memory_space<vmem_shared>>)
    %dma_wait3A_135 = arith.constant 124 : i32
    %dma_wait3A_136 = arith.constant 0 : i32
    %dma_wait3A_137 = tpu.memref_slice %arg6[%dma_wait3A_135, %dma_wait3A_136] : memref<125x80xi32, #tpu.memory_space<vmem>> -> memref<1x80xi32, #tpu.memory_space<vmem>>
    %dma_wait3A_138 = tpu.memref_squeeze %dma_wait3A_137 : memref<1x80xi32, #tpu.memory_space<vmem>> -> memref<80xi32, #tpu.memory_space<vmem>>
    %dma_wait3A_139 = arith.constant 0 : i32
    %dma_wait3A_140 = arith.constant 0 : i32
    %dma_wait3A_141 = tpu.memref_slice %arg3[%dma_wait3A_139, %dma_wait3A_140] : memref<10000x48xf32, #tpu.memory_space<hbm>> -> memref<10000x48xf32, #tpu.memory_space<hbm>>
    tpu.wait_indirect_dma semaphore(%arg25 : memref<!tpu.dma_semaphore, #tpu.memory_space<semaphore_mem>>) src(%dma_wait3A_141 : memref<10000x48xf32, #tpu.memory_space<hbm>>) dst(%arg12 : memref<80x48xf32, #tpu.memory_space<vmem>>)
    %dma_start3A_142 = arith.constant 124 : i32
    %dma_start3A_143 = arith.constant 0 : i32
    %dma_start3A_144 = tpu.memref_slice %arg7[%dma_start3A_142, %dma_start3A_143] : memref<125x80xi32, #tpu.memory_space<vmem>> -> memref<1x80xi32, #tpu.memory_space<vmem>>
    %dma_start3A_145 = tpu.memref_squeeze %dma_start3A_144 : memref<1x80xi32, #tpu.memory_space<vmem>> -> memref<80xi32, #tpu.memory_space<vmem>>
    %dma_start3A_146 = arith.constant 0 : i32
    %dma_start3A_147 = arith.constant 0 : i32
    %dma_start3A_148 = tpu.memref_slice %arg20[%dma_start3A_146, %dma_start3A_147] : memref<10000x48xf32, #tpu.memory_space<vmem_shared>> -> memref<10000x48xf32, #tpu.memory_space<vmem_shared>>
    tpu.enqueue_indirect_dma source(%arg12 : memref<80x48xf32, #tpu.memory_space<vmem>>) target(%dma_start3A_148 : memref<10000x48xf32, #tpu.memory_space<vmem_shared>>) offsets(%dma_start3A_145 : memref<80xi32, #tpu.memory_space<vmem>>) semaphore(%arg37 : memref<!tpu.dma_semaphore, #tpu.memory_space<semaphore_mem>>) {add = true}
    %dma_wait3A_149 = arith.constant 118 : i32
    %dma_wait3A_150 = arith.constant 0 : i32
    %dma_wait3A_151 = tpu.memref_slice %arg7[%dma_wait3A_149, %dma_wait3A_150] : memref<125x80xi32, #tpu.memory_space<vmem>> -> memref<1x80xi32, #tpu.memory_space<vmem>>
    %dma_wait3A_152 = tpu.memref_squeeze %dma_wait3A_151 : memref<1x80xi32, #tpu.memory_space<vmem>> -> memref<80xi32, #tpu.memory_space<vmem>>
    %dma_wait3A_153 = arith.constant 0 : i32
    %dma_wait3A_154 = arith.constant 0 : i32
    %dma_wait3A_155 = tpu.memref_slice %arg20[%dma_wait3A_153, %dma_wait3A_154] : memref<10000x48xf32, #tpu.memory_space<vmem_shared>> -> memref<10000x48xf32, #tpu.memory_space<vmem_shared>>
    tpu.wait_indirect_dma semaphore(%arg43 : memref<!tpu.dma_semaphore, #tpu.memory_space<semaphore_mem>>) src(%arg18 : memref<80x48xf32, #tpu.memory_space<vmem>>) dst(%dma_wait3A_155 : memref<10000x48xf32, #tpu.memory_space<vmem_shared>>)
    %dma_wait3A_156 = arith.constant 119 : i32
    %dma_wait3A_157 = arith.constant 0 : i32
    %dma_wait3A_158 = tpu.memref_slice %arg7[%dma_wait3A_156, %dma_wait3A_157] : memref<125x80xi32, #tpu.memory_space<vmem>> -> memref<1x80xi32, #tpu.memory_space<vmem>>
    %dma_wait3A_159 = tpu.memref_squeeze %dma_wait3A_158 : memref<1x80xi32, #tpu.memory_space<vmem>> -> memref<80xi32, #tpu.memory_space<vmem>>
    %dma_wait3A_160 = arith.constant 0 : i32
    %dma_wait3A_161 = arith.constant 0 : i32
    %dma_wait3A_162 = tpu.memref_slice %arg20[%dma_wait3A_160, %dma_wait3A_161] : memref<10000x48xf32, #tpu.memory_space<vmem_shared>> -> memref<10000x48xf32, #tpu.memory_space<vmem_shared>>
    tpu.wait_indirect_dma semaphore(%arg44 : memref<!tpu.dma_semaphore, #tpu.memory_space<semaphore_mem>>) src(%arg19 : memref<80x48xf32, #tpu.memory_space<vmem>>) dst(%dma_wait3A_162 : memref<10000x48xf32, #tpu.memory_space<vmem_shared>>)
    %dma_wait3A_163 = arith.constant 120 : i32
    %dma_wait3A_164 = arith.constant 0 : i32
    %dma_wait3A_165 = tpu.memref_slice %arg7[%dma_wait3A_163, %dma_wait3A_164] : memref<125x80xi32, #tpu.memory_space<vmem>> -> memref<1x80xi32, #tpu.memory_space<vmem>>
    %dma_wait3A_166 = tpu.memref_squeeze %dma_wait3A_165 : memref<1x80xi32, #tpu.memory_space<vmem>> -> memref<80xi32, #tpu.memory_space<vmem>>
    %dma_wait3A_167 = arith.constant 0 : i32
    %dma_wait3A_168 = arith.constant 0 : i32
    %dma_wait3A_169 = tpu.memref_slice %arg20[%dma_wait3A_167, %dma_wait3A_168] : memref<10000x48xf32, #tpu.memory_space<vmem_shared>> -> memref<10000x48xf32, #tpu.memory_space<vmem_shared>>
    tpu.wait_indirect_dma semaphore(%arg33 : memref<!tpu.dma_semaphore, #tpu.memory_space<semaphore_mem>>) src(%arg8 : memref<80x48xf32, #tpu.memory_space<vmem>>) dst(%dma_wait3A_169 : memref<10000x48xf32, #tpu.memory_space<vmem_shared>>)
    %dma_wait3A_170 = arith.constant 121 : i32
    %dma_wait3A_171 = arith.constant 0 : i32
    %dma_wait3A_172 = tpu.memref_slice %arg7[%dma_wait3A_170, %dma_wait3A_171] : memref<125x80xi32, #tpu.memory_space<vmem>> -> memref<1x80xi32, #tpu.memory_space<vmem>>
    %dma_wait3A_173 = tpu.memref_squeeze %dma_wait3A_172 : memref<1x80xi32, #tpu.memory_space<vmem>> -> memref<80xi32, #tpu.memory_space<vmem>>
    %dma_wait3A_174 = arith.constant 0 : i32
    %dma_wait3A_175 = arith.constant 0 : i32
    %dma_wait3A_176 = tpu.memref_slice %arg20[%dma_wait3A_174, %dma_wait3A_175] : memref<10000x48xf32, #tpu.memory_space<vmem_shared>> -> memref<10000x48xf32, #tpu.memory_space<vmem_shared>>
    tpu.wait_indirect_dma semaphore(%arg34 : memref<!tpu.dma_semaphore, #tpu.memory_space<semaphore_mem>>) src(%arg9 : memref<80x48xf32, #tpu.memory_space<vmem>>) dst(%dma_wait3A_176 : memref<10000x48xf32, #tpu.memory_space<vmem_shared>>)
    %dma_wait3A_177 = arith.constant 122 : i32
    %dma_wait3A_178 = arith.constant 0 : i32
    %dma_wait3A_179 = tpu.memref_slice %arg7[%dma_wait3A_177, %dma_wait3A_178] : memref<125x80xi32, #tpu.memory_space<vmem>> -> memref<1x80xi32, #tpu.memory_space<vmem>>
    %dma_wait3A_180 = tpu.memref_squeeze %dma_wait3A_179 : memref<1x80xi32, #tpu.memory_space<vmem>> -> memref<80xi32, #tpu.memory_space<vmem>>
    %dma_wait3A_181 = arith.constant 0 : i32
    %dma_wait3A_182 = arith.constant 0 : i32
    %dma_wait3A_183 = tpu.memref_slice %arg20[%dma_wait3A_181, %dma_wait3A_182] : memref<10000x48xf32, #tpu.memory_space<vmem_shared>> -> memref<10000x48xf32, #tpu.memory_space<vmem_shared>>
    tpu.wait_indirect_dma semaphore(%arg35 : memref<!tpu.dma_semaphore, #tpu.memory_space<semaphore_mem>>) src(%arg10 : memref<80x48xf32, #tpu.memory_space<vmem>>) dst(%dma_wait3A_183 : memref<10000x48xf32, #tpu.memory_space<vmem_shared>>)
    %dma_wait3A_184 = arith.constant 123 : i32
    %dma_wait3A_185 = arith.constant 0 : i32
    %dma_wait3A_186 = tpu.memref_slice %arg7[%dma_wait3A_184, %dma_wait3A_185] : memref<125x80xi32, #tpu.memory_space<vmem>> -> memref<1x80xi32, #tpu.memory_space<vmem>>
    %dma_wait3A_187 = tpu.memref_squeeze %dma_wait3A_186 : memref<1x80xi32, #tpu.memory_space<vmem>> -> memref<80xi32, #tpu.memory_space<vmem>>
    %dma_wait3A_188 = arith.constant 0 : i32
    %dma_wait3A_189 = arith.constant 0 : i32
    %dma_wait3A_190 = tpu.memref_slice %arg20[%dma_wait3A_188, %dma_wait3A_189] : memref<10000x48xf32, #tpu.memory_space<vmem_shared>> -> memref<10000x48xf32, #tpu.memory_space<vmem_shared>>
    tpu.wait_indirect_dma semaphore(%arg36 : memref<!tpu.dma_semaphore, #tpu.memory_space<semaphore_mem>>) src(%arg11 : memref<80x48xf32, #tpu.memory_space<vmem>>) dst(%dma_wait3A_190 : memref<10000x48xf32, #tpu.memory_space<vmem_shared>>)
    %dma_wait3A_191 = arith.constant 124 : i32
    %dma_wait3A_192 = arith.constant 0 : i32
    %dma_wait3A_193 = tpu.memref_slice %arg7[%dma_wait3A_191, %dma_wait3A_192] : memref<125x80xi32, #tpu.memory_space<vmem>> -> memref<1x80xi32, #tpu.memory_space<vmem>>
    %dma_wait3A_194 = tpu.memref_squeeze %dma_wait3A_193 : memref<1x80xi32, #tpu.memory_space<vmem>> -> memref<80xi32, #tpu.memory_space<vmem>>
    %dma_wait3A_195 = arith.constant 0 : i32
    %dma_wait3A_196 = arith.constant 0 : i32
    %dma_wait3A_197 = tpu.memref_slice %arg20[%dma_wait3A_195, %dma_wait3A_196] : memref<10000x48xf32, #tpu.memory_space<vmem_shared>> -> memref<10000x48xf32, #tpu.memory_space<vmem_shared>>
    tpu.wait_indirect_dma semaphore(%arg37 : memref<!tpu.dma_semaphore, #tpu.memory_space<semaphore_mem>>) src(%arg12 : memref<80x48xf32, #tpu.memory_space<vmem>>) dst(%dma_wait3A_197 : memref<10000x48xf32, #tpu.memory_space<vmem_shared>>)
    %barrier3A_198 = arith.constant 0 : index
    tpu.barrier barrier_id(%barrier3A_198)
    %mul3A_199 = arith.constant 10000 : i32
    %mul3A_200 = arith.muli %arg0, %mul3A_199 : i32
    %mul3A_201 = arith.constant 624 : i32
    %mul3A_202 = arith.muli %arg1, %mul3A_201 : i32
    %mul3A_203 = arith.constant 624 : i32
    %mul3A_204 = arith.muli %arg1, %mul3A_203 : i32
    %add3A_205 = arith.addi %mul3A_200, %mul3A_204 : i32
    "tpu.region"() ({
      %run_scoped3A_211 = tpu.sem_alloc : memref<!tpu.dma_semaphore, #tpu.memory_space<semaphore_mem>>
      %dma_start3A_212 = arith.constant 0 : i32
      %dma_start3A_213 = tpu.memref_slice %arg5[%add3A_205, %dma_start3A_212] : memref<20000x48xf32, #tpu.memory_space<hbm>> -> memref<624x48xf32, #tpu.memory_space<hbm>>
      %dma_start3A_214 = arith.constant 0 : i32
      %dma_start3A_215 = tpu.memref_slice %arg20[%mul3A_202, %dma_start3A_214] : memref<10000x48xf32, #tpu.memory_space<vmem_shared>> -> memref<624x48xf32, #tpu.memory_space<vmem_shared>>
      tpu.enqueue_dma source(%dma_start3A_215 : memref<624x48xf32, #tpu.memory_space<vmem_shared>>) target(%dma_start3A_213 : memref<624x48xf32, #tpu.memory_space<hbm>>) target_semaphore(%run_scoped3A_211 : memref<!tpu.dma_semaphore, #tpu.memory_space<semaphore_mem>>)
      %dma_wait3A_216 = arith.constant 0 : i32
      %dma_wait3A_217 = tpu.memref_slice %arg5[%add3A_205, %dma_wait3A_216] : memref<20000x48xf32, #tpu.memory_space<hbm>> -> memref<624x48xf32, #tpu.memory_space<hbm>>
      %dma_wait3A_218 = arith.constant 0 : i32
      %dma_wait3A_219 = tpu.memref_slice %arg20[%mul3A_202, %dma_wait3A_218] : memref<10000x48xf32, #tpu.memory_space<vmem_shared>> -> memref<624x48xf32, #tpu.memory_space<vmem_shared>>
      tpu.wait_dma2 semaphore(%run_scoped3A_211 : memref<!tpu.dma_semaphore, #tpu.memory_space<semaphore_mem>>) src(%dma_wait3A_219 : memref<624x48xf32, #tpu.memory_space<vmem_shared>>) dst(%dma_wait3A_217 : memref<624x48xf32, #tpu.memory_space<hbm>>)
      tpu.yield
    }) : () -> ()
    %eq3A_206 = arith.constant 15 : i32
    %eq3A_207 = arith.cmpi eq, %arg1, %eq3A_206 : i32
    %convert_element_type3A_208 = arith.extui %eq3A_207 : i1 to i32
    %cond3A_209 = arith.constant 0 : i32
    %cond3A_210 = arith.cmpi ne, %convert_element_type3A_208, %cond3A_209 : i32
    scf.if %cond3A_210 {
      %add3A_211 = arith.constant 9984 : i32
      %add3A_212 = arith.addi %mul3A_200, %add3A_211 : i32
      "tpu.region"() ({
        %run_scoped3A_213 = tpu.sem_alloc : memref<!tpu.dma_semaphore, #tpu.memory_space<semaphore_mem>>
        %dma_start3A_214 = arith.constant 0 : i32
        %dma_start3A_215 = tpu.memref_slice %arg5[%add3A_212, %dma_start3A_214] : memref<20000x48xf32, #tpu.memory_space<hbm>> -> memref<16x48xf32, #tpu.memory_space<hbm>>
        %dma_start3A_216 = arith.constant 9984 : i32
        %dma_start3A_217 = arith.constant 0 : i32
        %dma_start3A_218 = tpu.memref_slice %arg20[%dma_start3A_216, %dma_start3A_217] : memref<10000x48xf32, #tpu.memory_space<vmem_shared>> -> memref<16x48xf32, #tpu.memory_space<vmem_shared>>
        tpu.enqueue_dma source(%dma_start3A_218 : memref<16x48xf32, #tpu.memory_space<vmem_shared>>) target(%dma_start3A_215 : memref<16x48xf32, #tpu.memory_space<hbm>>) target_semaphore(%run_scoped3A_213 : memref<!tpu.dma_semaphore, #tpu.memory_space<semaphore_mem>>)
        %dma_wait3A_219 = arith.constant 0 : i32
        %dma_wait3A_220 = tpu.memref_slice %arg5[%add3A_212, %dma_wait3A_219] : memref<20000x48xf32, #tpu.memory_space<hbm>> -> memref<16x48xf32, #tpu.memory_space<hbm>>
        %dma_wait3A_221 = arith.constant 9984 : i32
        %dma_wait3A_222 = arith.constant 0 : i32
        %dma_wait3A_223 = tpu.memref_slice %arg20[%dma_wait3A_221, %dma_wait3A_222] : memref<10000x48xf32, #tpu.memory_space<vmem_shared>> -> memref<16x48xf32, #tpu.memory_space<vmem_shared>>
        tpu.wait_dma2 semaphore(%run_scoped3A_213 : memref<!tpu.dma_semaphore, #tpu.memory_space<semaphore_mem>>) src(%dma_wait3A_223 : memref<16x48xf32, #tpu.memory_space<vmem_shared>>) dst(%dma_wait3A_220 : memref<16x48xf32, #tpu.memory_space<hbm>>)
        tpu.yield
      }) : () -> ()
    } else {
    }
    return
  }
}

module attributes {stable_mosaic.version = 14 : i64} {
  func.func @body(%arg0: i32, %arg1: memref<1000x128xf32, #tpu.memory_space<vmem>>, %arg2: memref<1000x128xf32, #tpu.memory_space<vmem>>, %arg3: memref<128x32xf32, #tpu.memory_space<vmem>>, %arg4: memref<128x32xf32, #tpu.memory_space<vmem>>, %arg5: memref<32xf32, #tpu.memory_space<vmem>>, %arg6: memref<1000x48xf32, #tpu.memory_space<vmem>>) attributes {dimension_semantics = [#tpu.dimension_semantics<arbitrary>], iteration_bounds = array<i64: 10>, scalar_prefetch = 0 : i64, scratch_operands = 0 : i64, tpu.core_type = #tpu.core_type<tc>, window_params = [{transform_indices = @transform_0, window_bounds = array<i64: 1000, 128>}, {transform_indices = @transform_1, window_bounds = array<i64: 1000, 128>}, {transform_indices = @transform_2, window_bounds = array<i64: 128, 32>}, {transform_indices = @transform_3, window_bounds = array<i64: 128, 32>}, {pipeline_mode = #tpu.pipeline_mode<synchronous>, transform_indices = @transform_4, window_bounds = array<i64: 32>}, {transform_indices = @transform_5, window_bounds = array<i64: 1000, 48>}]} {
    %get3A = arith.constant 0 : index
    %get3A_0 = arith.constant 0 : index
    %get3A_1 = vector.load %arg1[%get3A, %get3A_0] : memref<1000x128xf32, #tpu.memory_space<vmem>>, vector<1000x128xf32>
    %get3A_2 = arith.constant 0 : index
    %get3A_3 = arith.constant 0 : index
    %get3A_4 = vector.load %arg3[%get3A_2, %get3A_3] : memref<128x32xf32, #tpu.memory_space<vmem>>, vector<128x32xf32>
    %dot_general3A = arith.constant dense<0.000000e+00> : vector<1000x32xf32>
    %dot_general3A_5 = tpu.matmul %get3A_1, %get3A_4, %dot_general3A {dimension_numbers = #tpu.dot_dimension_numbers<[1], [0], [0], [1], [0, 0, 1, 1], [], []>, transpose_lhs_hint = false} : vector<1000x128xf32>, vector<128x32xf32>, vector<1000x32xf32> -> vector<1000x32xf32>
    %get3A_6 = arith.constant 0 : index
    %get3A_7 = arith.constant 0 : index
    %get3A_8 = vector.load %arg2[%get3A_6, %get3A_7] : memref<1000x128xf32, #tpu.memory_space<vmem>>, vector<1000x128xf32>
    %get3A_9 = arith.constant 0 : index
    %get3A_10 = arith.constant 0 : index
    %get3A_11 = vector.load %arg4[%get3A_9, %get3A_10] : memref<128x32xf32, #tpu.memory_space<vmem>>, vector<128x32xf32>
    %dot_general3A_12 = arith.constant dense<0.000000e+00> : vector<1000x32xf32>
    %dot_general3A_13 = tpu.matmul %get3A_8, %get3A_11, %dot_general3A_12 {dimension_numbers = #tpu.dot_dimension_numbers<[1], [0], [0], [1], [0, 0, 1, 1], [], []>, transpose_lhs_hint = false} : vector<1000x128xf32>, vector<128x32xf32>, vector<1000x32xf32> -> vector<1000x32xf32>
    %add3A = arith.addf %dot_general3A_5, %dot_general3A_13 : vector<1000x32xf32>
    %get3A_14 = arith.constant 0 : index
    %get3A_15 = vector.load %arg5[%get3A_14] : memref<32xf32, #tpu.memory_space<vmem>>, vector<32xf32>
    %broadcast_in_dim3A = vector.shape_cast %get3A_15 : vector<32xf32> to vector<1x32xf32>
    %add3A_16 = vector.broadcast %broadcast_in_dim3A : vector<1x32xf32> to vector<1000x32xf32>
    %add3A_17 = arith.addf %add3A, %add3A_16 : vector<1000x32xf32>
    %broadcast_in_dim3A_18 = arith.constant 1.000000e+00 : f32
    %broadcast_in_dim3A_19 = vector.broadcast %broadcast_in_dim3A_18 : f32 to vector<1000x1xf32>
    %broadcast_in_dim3A_20 = arith.constant 0.000000e+00 : f32
    %broadcast_in_dim3A_21 = vector.broadcast %broadcast_in_dim3A_20 : f32 to vector<1000x15xf32>
    %concatenate3A = tpu.concatenate %add3A_17, %broadcast_in_dim3A_19, %broadcast_in_dim3A_21 in 1 : vector<1000x32xf32>, vector<1000x1xf32>, vector<1000x15xf32> -> vector<1000x48xf32>
    %swap3A = arith.constant 0 : index
    %swap3A_22 = arith.constant 0 : index
    %swap3A_23 = vector.load %arg6[%swap3A, %swap3A_22] : memref<1000x48xf32, #tpu.memory_space<vmem>>, vector<1000x48xf32>
    tpu.vector_store %arg6[%swap3A, %swap3A_22], %concatenate3A {strides = array<i32>} : memref<1000x48xf32, #tpu.memory_space<vmem>>, vector<1000x48xf32>,
    return
  }
  func.func @transform_0(%arg0: i32) -> (i32, i32) {
    %c0_i32 = arith.constant 0 : i32
    %c0_i32_0 = arith.constant 0 : i32
    return %arg0, %c0_i32 : i32, i32
  }
  func.func @transform_1(%arg0: i32) -> (i32, i32) {
    %c0_i32 = arith.constant 0 : i32
    %c0_i32_0 = arith.constant 0 : i32
    return %arg0, %c0_i32 : i32, i32
  }
  func.func @transform_2(%arg0: i32) -> (i32, i32) {
    %c0_i32 = arith.constant 0 : i32
    %c0_i32_0 = arith.constant 0 : i32
    %c0_i32_1 = arith.constant 0 : i32
    return %c0_i32, %c0_i32_0 : i32, i32
  }
  func.func @transform_3(%arg0: i32) -> (i32, i32) {
    %c1_i32 = arith.constant 1 : i32
    %c0_i32 = arith.constant 0 : i32
    %c0_i32_0 = arith.constant 0 : i32
    return %c1_i32, %c0_i32 : i32, i32
  }
  func.func @transform_4(%arg0: i32) -> i32 {
    %c0_i32 = arith.constant 0 : i32
    %c0_i32_0 = arith.constant 0 : i32
    return %c0_i32 : i32
  }
  func.func @transform_5(%arg0: i32) -> (i32, i32) {
    %c0_i32 = arith.constant 0 : i32
    %c0_i32_0 = arith.constant 0 : i32
    return %arg0, %c0_i32 : i32, i32
  }
}

module attributes {stable_mosaic.version = 14 : i64} {
  func.func @body(%arg0: i32, %arg1: memref<1000x128xf32, #tpu.memory_space<vmem>>, %arg2: memref<1000x128xf32, #tpu.memory_space<vmem>>, %arg3: memref<1000x48xf32, #tpu.memory_space<vmem>>, %arg4: memref<1000x48xf32, #tpu.memory_space<vmem>>, %arg5: memref<128x384xf32, #tpu.memory_space<vmem>>, %arg6: memref<32x384xf32, #tpu.memory_space<vmem>>, %arg7: memref<128x384xf32, #tpu.memory_space<vmem>>, %arg8: memref<384xf32, #tpu.memory_space<vmem>>, %arg9: memref<384xf32, #tpu.memory_space<vmem>>, %arg10: memref<1000x128xf32, #tpu.memory_space<vmem>>) attributes {dimension_semantics = [#tpu.dimension_semantics<arbitrary>], iteration_bounds = array<i64: 10>, scalar_prefetch = 0 : i64, scratch_operands = 0 : i64, tpu.core_type = #tpu.core_type<tc>, window_params = [{transform_indices = @transform_0, window_bounds = array<i64: 1000, 128>}, {transform_indices = @transform_1, window_bounds = array<i64: 1000, 128>}, {transform_indices = @transform_2, window_bounds = array<i64: 1000, 48>}, {transform_indices = @transform_3, window_bounds = array<i64: 1000, 48>}, {transform_indices = @transform_4, window_bounds = array<i64: 128, 384>}, {transform_indices = @transform_5, window_bounds = array<i64: 32, 384>}, {pipeline_mode = #tpu.pipeline_mode<synchronous>, transform_indices = @transform_6, window_bounds = array<i64: 128, 384>}, {pipeline_mode = #tpu.pipeline_mode<synchronous>, transform_indices = @transform_7, window_bounds = array<i64: 384>}, {pipeline_mode = #tpu.pipeline_mode<synchronous>, transform_indices = @transform_8, window_bounds = array<i64: 384>}, {transform_indices = @transform_9, window_bounds = array<i64: 1000, 128>}]} {
    %get3A = arith.constant 0 : index
    %get3A_0 = arith.constant 0 : index
    %get3A_1 = vector.load %arg3[%get3A, %get3A_0] : memref<1000x48xf32, #tpu.memory_space<vmem>>, vector<1000x48xf32>
    %get3A_2 = arith.constant 0 : index
    %get3A_3 = arith.constant 0 : index
    %get3A_4 = vector.load %arg4[%get3A_2, %get3A_3] : memref<1000x48xf32, #tpu.memory_space<vmem>>, vector<1000x48xf32>
    %add3A = arith.addf %get3A_1, %get3A_4 : vector<1000x48xf32>
    %slice3A = vector.extract_strided_slice %add3A {offsets = [0, 32], sizes = [1000, 1], strides = [1, 1]} : vector<1000x48xf32> to vector<1000x1xf32>
    %slice3A_5 = vector.extract_strided_slice %add3A {offsets = [0, 0], sizes = [1000, 32], strides = [1, 1]} : vector<1000x48xf32> to vector<1000x32xf32>
    %max3A = arith.constant 1.000000e+00 : f32
    %max3A_6 = vector.broadcast %max3A : f32 to vector<1000x1xf32>
    %max3A_7 = arith.maximumf %slice3A, %max3A_6 : vector<1000x1xf32>
    %div3A = vector.broadcast %max3A_7 : vector<1000x1xf32> to vector<1000x32xf32>
    %div3A_8 = arith.divf %slice3A_5, %div3A : vector<1000x32xf32>
    %get3A_9 = arith.constant 0 : index
    %get3A_10 = arith.constant 0 : index
    %get3A_11 = vector.load %arg1[%get3A_9, %get3A_10] : memref<1000x128xf32, #tpu.memory_space<vmem>>, vector<1000x128xf32>
    %get3A_12 = arith.constant 0 : index
    %get3A_13 = arith.constant 0 : index
    %get3A_14 = vector.load %arg5[%get3A_12, %get3A_13] : memref<128x384xf32, #tpu.memory_space<vmem>>, vector<128x384xf32>
    %dot_general3A = arith.constant dense<0.000000e+00> : vector<1000x384xf32>
    %dot_general3A_15 = tpu.matmul %get3A_11, %get3A_14, %dot_general3A {dimension_numbers = #tpu.dot_dimension_numbers<[1], [0], [0], [1], [0, 0, 1, 1], [], []>, transpose_lhs_hint = false} : vector<1000x128xf32>, vector<128x384xf32>, vector<1000x384xf32> -> vector<1000x384xf32>
    %get3A_16 = arith.constant 0 : index
    %get3A_17 = arith.constant 0 : index
    %get3A_18 = vector.load %arg6[%get3A_16, %get3A_17] : memref<32x384xf32, #tpu.memory_space<vmem>>, vector<32x384xf32>
    %dot_general3A_19 = arith.constant dense<0.000000e+00> : vector<1000x384xf32>
    %dot_general3A_20 = tpu.matmul %div3A_8, %get3A_18, %dot_general3A_19 {dimension_numbers = #tpu.dot_dimension_numbers<[1], [0], [0], [1], [0, 0, 1, 1], [], []>, transpose_lhs_hint = false} : vector<1000x32xf32>, vector<32x384xf32>, vector<1000x384xf32> -> vector<1000x384xf32>
    %add3A_21 = arith.addf %dot_general3A_15, %dot_general3A_20 : vector<1000x384xf32>
    %get3A_22 = arith.constant 0 : index
    %get3A_23 = vector.load %arg8[%get3A_22] : memref<384xf32, #tpu.memory_space<vmem>>, vector<384xf32>
    %broadcast_in_dim3A = vector.shape_cast %get3A_23 : vector<384xf32> to vector<1x384xf32>
    %add3A_24 = vector.broadcast %broadcast_in_dim3A : vector<1x384xf32> to vector<1000x384xf32>
    %add3A_25 = arith.addf %add3A_21, %add3A_24 : vector<1000x384xf32>
    %get3A_26 = arith.constant 0 : index
    %get3A_27 = arith.constant 0 : index
    %get3A_28 = vector.load %arg2[%get3A_26, %get3A_27] : memref<1000x128xf32, #tpu.memory_space<vmem>>, vector<1000x128xf32>
    %get3A_29 = arith.constant 0 : index
    %get3A_30 = arith.constant 0 : index
    %get3A_31 = vector.load %arg7[%get3A_29, %get3A_30] : memref<128x384xf32, #tpu.memory_space<vmem>>, vector<128x384xf32>
    %dot_general3A_32 = arith.constant dense<0.000000e+00> : vector<1000x384xf32>
    %dot_general3A_33 = tpu.matmul %get3A_28, %get3A_31, %dot_general3A_32 {dimension_numbers = #tpu.dot_dimension_numbers<[1], [0], [0], [1], [0, 0, 1, 1], [], []>, transpose_lhs_hint = false} : vector<1000x128xf32>, vector<128x384xf32>, vector<1000x384xf32> -> vector<1000x384xf32>
    %get3A_34 = arith.constant 0 : index
    %get3A_35 = vector.load %arg9[%get3A_34] : memref<384xf32, #tpu.memory_space<vmem>>, vector<384xf32>
    %broadcast_in_dim3A_36 = vector.shape_cast %get3A_35 : vector<384xf32> to vector<1x384xf32>
    %add3A_37 = vector.broadcast %broadcast_in_dim3A_36 : vector<1x384xf32> to vector<1000x384xf32>
    %add3A_38 = arith.addf %dot_general3A_33, %add3A_37 : vector<1000x384xf32>
    %get3A_39 = arith.constant 0 : index
    %get3A_40 = arith.constant 0 : index
    %get3A_41 = vector.load %arg2[%get3A_39, %get3A_40] : memref<1000x128xf32, #tpu.memory_space<vmem>>, vector<1000x128xf32>
    %slice3A_42 = vector.extract_strided_slice %add3A_25 {offsets = [0, 0], sizes = [1000, 128], strides = [1, 1]} : vector<1000x384xf32> to vector<1000x128xf32>
    %slice3A_43 = vector.extract_strided_slice %add3A_38 {offsets = [0, 0], sizes = [1000, 128], strides = [1, 1]} : vector<1000x384xf32> to vector<1000x128xf32>
    %add3A_44 = arith.addf %slice3A_42, %slice3A_43 : vector<1000x128xf32>
    %logistic3A = arith.negf %add3A_44 : vector<1000x128xf32>
    %logistic3A_45 = math.exp %logistic3A : vector<1000x128xf32>
    %logistic3A_46 = arith.constant 1.000000e+00 : f32
    %logistic3A_47 = vector.broadcast %logistic3A_46 : f32 to vector<1000x128xf32>
    %logistic3A_48 = arith.addf %logistic3A_47, %logistic3A_45 : vector<1000x128xf32>
    %logistic3A_49 = arith.divf %logistic3A_47, %logistic3A_48 : vector<1000x128xf32>
    %slice3A_50 = vector.extract_strided_slice %add3A_25 {offsets = [0, 128], sizes = [1000, 128], strides = [1, 1]} : vector<1000x384xf32> to vector<1000x128xf32>
    %slice3A_51 = vector.extract_strided_slice %add3A_38 {offsets = [0, 128], sizes = [1000, 128], strides = [1, 1]} : vector<1000x384xf32> to vector<1000x128xf32>
    %add3A_52 = arith.addf %slice3A_50, %slice3A_51 : vector<1000x128xf32>
    %logistic3A_53 = arith.negf %add3A_52 : vector<1000x128xf32>
    %logistic3A_54 = math.exp %logistic3A_53 : vector<1000x128xf32>
    %logistic3A_55 = arith.constant 1.000000e+00 : f32
    %logistic3A_56 = vector.broadcast %logistic3A_55 : f32 to vector<1000x128xf32>
    %logistic3A_57 = arith.addf %logistic3A_56, %logistic3A_54 : vector<1000x128xf32>
    %logistic3A_58 = arith.divf %logistic3A_56, %logistic3A_57 : vector<1000x128xf32>
    %slice3A_59 = vector.extract_strided_slice %add3A_25 {offsets = [0, 256], sizes = [1000, 128], strides = [1, 1]} : vector<1000x384xf32> to vector<1000x128xf32>
    %slice3A_60 = vector.extract_strided_slice %add3A_38 {offsets = [0, 256], sizes = [1000, 128], strides = [1, 1]} : vector<1000x384xf32> to vector<1000x128xf32>
    %mul3A = arith.mulf %logistic3A_49, %slice3A_60 : vector<1000x128xf32>
    %add3A_61 = arith.addf %slice3A_59, %mul3A : vector<1000x128xf32>
    %tanh3A = math.tanh %add3A_61 : vector<1000x128xf32>
    %sub3A = arith.constant 1.000000e+00 : f32
    %sub3A_62 = vector.broadcast %sub3A : f32 to vector<1000x128xf32>
    %sub3A_63 = arith.subf %sub3A_62, %logistic3A_58 : vector<1000x128xf32>
    %mul3A_64 = arith.mulf %sub3A_63, %tanh3A : vector<1000x128xf32>
    %mul3A_65 = arith.mulf %logistic3A_58, %get3A_41 : vector<1000x128xf32>
    %add3A_66 = arith.addf %mul3A_64, %mul3A_65 : vector<1000x128xf32>
    %swap3A = arith.constant 0 : index
    %swap3A_67 = arith.constant 0 : index
    %swap3A_68 = vector.load %arg10[%swap3A, %swap3A_67] : memref<1000x128xf32, #tpu.memory_space<vmem>>, vector<1000x128xf32>
    tpu.vector_store %arg10[%swap3A, %swap3A_67], %add3A_66 {strides = array<i32>} : memref<1000x128xf32, #tpu.memory_space<vmem>>, vector<1000x128xf32>,
    return
  }
  func.func @transform_0(%arg0: i32) -> (i32, i32) {
    %c0_i32 = arith.constant 0 : i32
    %c0_i32_0 = arith.constant 0 : i32
    return %arg0, %c0_i32 : i32, i32
  }
  func.func @transform_1(%arg0: i32) -> (i32, i32) {
    %c0_i32 = arith.constant 0 : i32
    %c0_i32_0 = arith.constant 0 : i32
    return %arg0, %c0_i32 : i32, i32
  }
  func.func @transform_2(%arg0: i32) -> (i32, i32) {
    %c0_i32 = arith.constant 0 : i32
    %c0_i32_0 = arith.constant 0 : i32
    return %arg0, %c0_i32 : i32, i32
  }
  func.func @transform_3(%arg0: i32) -> (i32, i32) {
    %add3A = arith.constant 10 : i32
    %add3A_0 = arith.addi %arg0, %add3A : i32
    %c0_i32 = arith.constant 0 : i32
    %c0_i32_1 = arith.constant 0 : i32
    return %add3A_0, %c0_i32 : i32, i32
  }
  func.func @transform_4(%arg0: i32) -> (i32, i32) {
    %c0_i32 = arith.constant 0 : i32
    %c0_i32_0 = arith.constant 0 : i32
    %c0_i32_1 = arith.constant 0 : i32
    return %c0_i32, %c0_i32_0 : i32, i32
  }
  func.func @transform_5(%arg0: i32) -> (i32, i32) {
    %c4_i32 = arith.constant 4 : i32
    %c0_i32 = arith.constant 0 : i32
    %c0_i32_0 = arith.constant 0 : i32
    return %c4_i32, %c0_i32 : i32, i32
  }
  func.func @transform_6(%arg0: i32) -> (i32, i32) {
    %c0_i32 = arith.constant 0 : i32
    %c0_i32_0 = arith.constant 0 : i32
    %c0_i32_1 = arith.constant 0 : i32
    return %c0_i32, %c0_i32_0 : i32, i32
  }
  func.func @transform_7(%arg0: i32) -> i32 {
    %c0_i32 = arith.constant 0 : i32
    %c0_i32_0 = arith.constant 0 : i32
    return %c0_i32 : i32
  }
  func.func @transform_8(%arg0: i32) -> i32 {
    %c0_i32 = arith.constant 0 : i32
    %c0_i32_0 = arith.constant 0 : i32
    return %c0_i32 : i32
  }
  func.func @transform_9(%arg0: i32) -> (i32, i32) {
    %c0_i32 = arith.constant 0 : i32
    %c0_i32_0 = arith.constant 0 : i32
    return %arg0, %c0_i32 : i32, i32
  }
}

</mosaic_0001>

<sc_bundles>
// kernel: kernel.5.cloned.1.call-start
scs
__scs_entry_jumppad:
0x0: {  	(pc) =	sbr.rel $0x88, $3  }
0x1: {  	(tag) =	ssettag $0x0;
	lr =	simm.s32 $0x1  }
0x2: {  	[smem:$0x3F98] =	sst lr;
	_ =	strace $0xD0000000  }
0x3: {  	_ = 	snop  }
0x4: {  	_ = 	snop  }
0x5: {  	_ = 	snop  }
0x6: {  	_ = 	snop  }
0x7: {  	_ = 	snop  }
__scs_overlays_trampoline_lowered:
0x8: {  	[smem:$0x3FA7] =	sst s0  }
0x9: {  	[smem:$0x3FA8] =	sst s1  }
0xa: {  	[smem:$0x3FA9] =	sst s2  }
0xb: {  	[smem:$0x3FAA] =	sst s3  }
0xc: {  	[smem:$0x3FAB] =	sst s4  }
0xd: {  	[smem:$0x3FAC] =	sst s5  }
0xe: {  	[smem:$0x3FAD] =	sst s6  }
0xf: {  	[smem:$0x3FAE] =	sst s7  }
0x10: {  	[smem:$0x3FAF] =	sst s8  }
0x11: {  	[smem:$0x3FB0] =	sst s9;
	s0 =	simm.s32 @!p0 $0x0  }
0x12: {  	s1 =	sld [smem:$0x3F96];
	s0 =	simm.s32 @p0 $0x1  }
0x13: {  	[smem:$0x3FB1] =	sst s0;
	s0 =	simm.s32 @!p1 $0x0  }
0x14: {  	s2 =	sld [smem:$0x3F95];
	s0 =	simm.s32 @p1 $0x1  }
0x15: {  	[smem:$0x3FB2] =	sst s0;
	s0 =	simm.s32 @!p2 $0x0  }
0x16: {  	s3 =	sld [smem:$0x3FDB];
	s0 =	simm.s32 @p2 $0x1  }
0x17: {  	s4 =	simm.s32 $0x1BF5;
	[smem:$0x3FB4] =	sst s0  }
0x18: {  	s0 =	sld [smem:$0x3F97];
	_ =	swait.ge [sflag:s4], $0x0  }
0x19: {  	s7 =	sld [smem:$0x3F98]  }
0x1a: {  	s8 =	sadd.s32 $0xFFFFE003, lr  }
0x1b: {  	s9 =	sadd.s32 $0xFFFFFEF7, lr;
	s5 =	simm.s32 $0xFFFFFFFF;
	p2 =	slt.u32 s8, $0xFFFFF086  }
0x1c: {  	p1 =	slt.u32 s9, $0xF7A;
	s5 =	simm.s32 @!p2 $0x0  }
0x1d: {  	s5 =	simm.s32 @p1 $0x1;
	p0 =	seq.s32 s7, s2  }
0x1e: {  	s7 =	smul.u32 @!p0 $0xF7A, s2;
	p2 =	seq.s32 @!p0 s5, $0x0  }
0x1f: {  	s9 =	smul.u32 $0xF7A, s1;
	s8 =	simm.s32 @!p0 $0x1BF5;
	p2 =	por !p2, p0  }
0x20: {  	[sflag:s8] =	ssyncset.s32 @!p0 $0xFFFFF086;
	s6 =	sadd.s32 @!p0 s3, s7;
	s7 =	simm.s32 @!p0 $0x108  }
0x21: {  	s3 =	sadd.s32 s3, s9;
	s6 =	sadd.s32 @!p0 $0x88, s6;
	s7 =	simm.s32 @p2 $0x1082  }
0x22: {  	[simem:s7], [sflag:s8] =	dma.local @!p0 [hbm:s6], $0xF7A  }
0x23: {  	s9 =	sor.u32 $0xD0000000, s2;
	s6 =	simm.s32 $0x108;
	_ =	swait.ge @!p0 [sflag:s8], $0x0  }
0x24: {  	s3 =	sadd.s32 $0x88, s3;
	s6 =	simm.s32 @!p1 $0x1082;
	[sflag:s4] =	ssyncset.s32 $0xFFFFF086  }
0x25: {  	[simem:s6], [sflag:s4] =	dma.local [hbm:s3], $0xF7A  }
0x26: {  	[smem:$0x3F98] =	sst s1;
	(tag) =	ssettag s2;
	_ =	strace s9  }
0x27: {  	s1 =	sld [smem:$0x3FA8]  }
0x28: {  	s2 =	sld [smem:$0x3FA9]  }
0x29: {  	s4 =	sld [smem:$0x3FAB]  }
0x2a: {  	p0 =	seq.s32 s5, $0x0;
	s5 =	sld [smem:$0x3FAC]  }
0x2b: {  	s6 =	sld [smem:$0x3FAD]  }
0x2c: {  	s7 =	sld [smem:$0x3FAE]  }
0x2d: {  	s3 =	simm.s32 $0x108;
	s8 =	sld [smem:$0x3FAF]  }
0x2e: {  	s3 =	simm.s32 @!p0 $0x1082;
	s9 =	sld [smem:$0x3FB0]  }
0x2f: {  	lr =	sadd.s32 s0, s3;
	s0 =	sld [smem:$0x3FA7]  }
0x30: {  	s3 =	sld [smem:$0x3FAA]  }
0x31: {  	[smem:$0x3FB3] =	sst s10  }
0x32: {  	s10 =	sld [smem:$0x3FB1];
	_ =	sdelay $0x3  }
0x33: {  	p0 =	seq.s32 s10, $0x1;
	s10 =	sld [smem:$0x3FB3];
	_ =	sdelay $0x3  }
0x34: {  	[smem:$0x3FB3] =	sst s10  }
0x35: {  	s10 =	sld [smem:$0x3FB2];
	_ =	sdelay $0x3  }
0x36: {  	p1 =	seq.s32 s10, $0x1;
	s10 =	sld [smem:$0x3FB3];
	_ =	sdelay $0x3  }
0x37: {  	[smem:$0x3FB3] =	sst s10  }
0x38: {  	s10 =	sld [smem:$0x3FB4]  }
0x39: {  	_ = 	snop;
	(pc) =	sbr.ind lr, $3  }
0x3a: {  	_ = 	snop  }
0x3b: {  	_ = 	snop  }
0x3c: {  	p2 =	seq.s32 s10, $0x1;
	s10 =	sld [smem:$0x3FB3]  }
0x3d: {  	_ =	shalt  }
0x3e: {  	_ =	shalt  }
0x3f: {  	_ =	shalt  }
0x40: {  	_ =	shalt  }
0x41: {  	_ =	shalt  }
0x42: {  	_ =	shalt  }
0x43: {  	_ =	shalt  }
0x44: {  	_ =	shalt  }
0x45: {  	_ =	shalt  }
0x46: {  	_ =	shalt  }
0x47: {  	_ =	shalt  }
0x48: {  	_ =	shalt  }
0x49: {  	_ =	shalt  }
0x4a: {  	_ =	shalt  }
0x4b: {  	_ =	shalt  }
0x4c: {  	_ =	shalt  }
0x4d: {  	_ =	shalt  }
0x4e: {  	_ =	shalt  }
0x4f: {  	_ =	shalt  }
0x50: {  	_ =	shalt  }
0x51: {  	_ =	shalt  }
0x52: {  	_ =	shalt  }
0x53: {  	_ =	shalt  }
0x54: {  	_ =	shalt  }
0x55: {  	_ =	shalt  }
0x56: {  	_ =	shalt  }
0x57: {  	_ =	shalt  }
0x58: {  	_ =	shalt  }
0x59: {  	_ =	shalt  }
0x5a: {  	_ =	shalt  }
0x5b: {  	_ =	shalt  }
0x5c: {  	_ =	shalt  }
0x5d: {  	_ =	shalt  }
0x5e: {  	_ =	shalt  }
0x5f: {  	_ =	shalt  }
0x60: {  	_ =	shalt  }
0x61: {  	_ =	shalt  }
0x62: {  	_ =	shalt  }
0x63: {  	_ =	shalt  }
0x64: {  	_ =	shalt  }
0x65: {  	_ =	shalt  }
0x66: {  	_ =	shalt  }
0x67: {  	_ =	shalt  }
0x68: {  	_ =	shalt  }
0x69: {  	_ =	shalt  }
0x6a: {  	_ =	shalt  }
0x6b: {  	_ =	shalt  }
0x6c: {  	_ =	shalt  }
0x6d: {  	_ =	shalt  }
0x6e: {  	_ =	shalt  }
0x6f: {  	_ =	shalt  }
0x70: {  	_ =	shalt  }
0x71: {  	_ =	shalt  }
0x72: {  	_ =	shalt  }
0x73: {  	_ =	shalt  }
0x74: {  	_ =	shalt  }
0x75: {  	_ =	shalt  }
0x76: {  	_ =	shalt  }
0x77: {  	_ =	shalt  }
0x78: {  	_ =	shalt  }
0x79: {  	_ =	shalt  }
0x7a: {  	_ =	shalt  }
0x7b: {  	_ =	shalt  }
0x7c: {  	_ =	shalt  }
0x7d: {  	_ =	shalt  }
0x7e: {  	_ =	shalt  }
0x7f: {  	_ =	shalt  }
0x80: {  	_ =	shalt  }
0x81: {  	_ =	shalt  }
0x82: {  	_ =	shalt  }
0x83: {  	_ =	shalt  }
0x84: {  	_ =	shalt  }
0x85: {  	_ =	shalt  }
0x86: {  	_ =	shalt  }
0x87: {  	_ =	shalt  }
.Lfunc_end0:
.L_simem_size_0:
called_computation_lowered:
.L_overlay_start_0:
0x88: {  	s2 =	sld [smem:$0x3FD9]  }
0x89: {  	s3 =	sld [smem:$0x3FFE];
	_ =	sdelay $0x1  }
0x8a: {  	s1 =	srdreg.scid  }
0x8b: {  	s0 =	sand.u32 $0x1, s1  }
0x8c: {  	s17 =	sshll.u32 s0, $0xA;
	s2 =	sadd.s32 s3, s2  }
0x8d: {  	s2 =	sadd.s32 s2, s17  }
0x8e: {  	[smem:$0x3FBF] =	sst s2  }
0x8f: {  	_ = 	snop  }
0x90: {  	s2 =	sld [smem:$0x3FD0];
	(tm) =	ssettm $0x1  }
0x91: {  	s18 =	sld [smem:$0x3FFB];
	_ =	sdelay $0x3  }
0x92: {  	_ =	strace s18  }
0x93: {  	s3 =	sld [smem:$0x3FFC];
	_ =	sdelay $0x3  }
0x94: {  	_ =	strace s3  }
0x95: {  	s3 =	sld [smem:$0x3FFD];
	_ =	sdelay $0x3  }
0x96: {  	_ =	strace s3  }
0x97: {  	_ =	strace $0x8FFFFFFF  }
0x98: {  	s19 =	sld [smem:$0x3FDB];
	_ =	sdelay $0x1  }
0x99: {  	s4 =	simm.s32 $_scs_section_size  }
0x9a: {  	s5 =	simm.s32 $_size__tile_overlayer_lowered;
	s6 =	simm.s32 $_tile_overlayer_lowered  }
0x9b: {  	s22 =	simm.s32 $0x1BFF;
	s21 =	sshll.u32 s6, $0x1;
	s3 =	sadd.s32 s4, s19  }
0x9c: {  	s7 =	simm.s32 $0x0;
	s20 =	sshll.u32 s5, $0x1;
	s5 =	sadd.s32 s21, s3  }
0x9d: {  	[timem:s7], [sflag:s22] =	dma.local [hbm:s5], s20  }
0x9e: {  	_ =	swait.ge [sflag:s22], s20  }
0x9f: {  	s4 =	ssub.s32 $0x0, s20;
	[sflag:s22] =	ssyncset.done $0x0  }
0xa0: {  	[sflag:s22] =	ssyncadd.s32 s4;
	_ =	sdelay $0x1  }
0xa1: {  	s23 =	simm.s32 $0x1B8B  }
0xa2: {  	_ =	swait.ge [sflag:s23], $0x1  }
0xa3: {  	[sflag:s23] =	ssyncset.done $0x0  }
0xa4: {  	s25 =	simm.s32 $0x1B8E;
	s24 =	sld [smem:$0x3FFE];
	[sflag:s23] =	ssyncadd.s32 $0xFFFFFFFF  }
0xa5: {  	s26 =	simm.s32 $execute0_lowered;
	[smem:$0x3FD2] =	sst s25  }
0xa6: {  	s5 =	sshll.u32 s26, $0x1;
	_ =	strace $0x80000046;
	[dreg:$0x1] =	wrdreg $0xFFFFFFFF  }
0xa7: {  	s28 =	simm.s32 $_size_execute0_lowered;
	s3 =	sadd.s32 s3, s5;
	[dreg:$0x0] =	wrdreg $0x0  }
0xa8: {  	s5 =	sshll.u32 s28, $0x1;
	[dreg:$0x2] =	wrdreg s3  }
0xa9: {  	[dreg:$0x3] =	wrdreg s5  }
0xaa: {  	[dreg:$0x4] =	wrdreg $0xC0  }
0xab: {  	_ =	task [dreg:s7], $0x5FFFF  }
0xac: {  	[dreg:$0x1] =	wrdreg $0xFFFFFFFF  }
0xad: {  	[dreg:$0x0] =	wrdreg $0x60  }
0xae: {  	[dreg:$0x2] =	wrdreg s24  }
0xaf: {  	[dreg:$0x3] =	wrdreg s2  }
0xb0: {  	[dreg:$0x4] =	wrdreg $0x102200  }
0xb1: {  	[dreg:$0x5] =	wrdreg $0x9  }
0xb2: {  	_ =	task.clear_ibuf [dreg:s7], $0x6FFFF;
	_ =	strace $0x90000046  }
0xb3: {  	s29 =	simm.s32 $0x9;
	_ =	strace $0x80000048  }
0xb4: {  	_ =	swait.ge [sflag:s29], $0x1  }
0xb5: {  	[sflag:s29] =	ssyncadd.s32 $0xFFFFFFFF  }
0xb6: {  	_ =	strace $0x90000048  }
0xb7: {  	_ =	sfence  }
0xb8: {  	s30 =	sld [smem:$0x0];
	_ =	sdelay $0x2  }
0xb9: {  	s31 =	sshll.u32 s1, $0xD;
	s1 =	sshrl.u32 s1, $0x2  }
0xba: {  	s3 =	sand.u32 $0x4000, s31;
	s1 =	sadd.s32 s1, s30  }
0xbb: {  	s0 =	sor.u32 s3, s0;
	s1 =	sshll.u32 s1, $0x11  }
0xbc: {  	s0 =	sor.u32 s1, s0  }
0xbd: {  	s0 =	sadd.s32 $0x8F2B, s0  }
0xbe: {  	[sflag:s0] =	ssyncadd.remote.s32 $0x1  }
0xbf: {  	_ =	sfence.sel $0xFFFF  }
0xc0: {  	[dreg:$0x0] =	wrdreg $0xFFFFFFFF;
	(pc) =	sbr.abs _section_cstart, $3  }
0xc1: {  	[dreg:$0x1] =	wrdreg $0xFFFFFFFF  }
0xc2: {  	_ =	task.clear_ibuf [dreg:s7], $0x2FFFF;
	_ =	strace $0x9FFFFFFF  }
0xc3: {  	(tm) =	ssettm $0x7FFFFFFF  }
tec
execute0_lowered:
.L_overlay_start_1:
0x0: {  	(tag) =	ssettag $0x1  }
0x1: {  	s0 =	srdreg.scid;
	s1 =	rddreg [dreg:$0x0]  }
0x2: {  	s10 =	stileid.u32;
	s3 =	rddreg [dreg:$0x1]  }
0x3: {  	s5 =	simm.s32 $0x0;
	s28 =	simm.s32 $0x19;
	s15 =	simm.s32 $0x50  }
0x4: {  	s30 =	simm.s32 $0x5D20;
	s31 =	simm.s32 $0x3;
	s14 =	simm.s32 $0x4  }
0x5: {  	s11 =	simm.s32 $0xF;
	s12 =	simm.s32 $0xA;
	s13 =	simm.s32 $0x11  }
0x6: {  	s16 =	simm.s32 $0x12;
	s29 =	simm.s32 $0xE420;
	s0 =	sand.u32 $0x1, s0  }
0x7: {  	s2 =	sshll.u32 s10, $0x1;
	[smem:$0x7FF] =	sst s5;
	s6 =	smul.u32 $0xEA0, s10  }
0x8: {  	s8 =	smul.u32 $0x1D400, s10;
	p0 =	sne.s32 s10, $0xF;
	s10 =	simm.s32 $0x9  }
0x9: {  	s4 =	sor.u32 s0, s2;
	s2 =	rddreg [dreg:$0x2];
	s9 =	smul.u32 $0x75300, s0  }
0xa: {  	_ =	strace $0x80000047;
	s7 =	ssub.s32 $0x2, s0;
	s0 =	smul.u32 $0xEA60, s0  }
0xb: {  	s4 =	smul.u32 $0x2710, s4;
	s19 =	sshrl.u32 s7, $0x1;
	s21 =	sshrl.u32 s8, $0x2  }
0xc: {  	s24 =	sadd.s32 $0x75000, s2;
	s8 =	simm.s32 $0x8;
	s22 =	sshrl.u32 s9, $0x3  }
0xd: {  	s0 =	sadd.s32 s6, s0;
	[dreg:$0x8] =	wrdreg s24;
	s9 =	simm.s32 $0xE  }
0xe: {  	s24 =	simm.s32 $0xB720;
	s4 =	sshrl.u32 s4, $0x3;
	s23 =	sadd.s32 s3, s22  }
0xf: {  	s0 =	sadd.s32 s3, s0;
	s3 =	simm.s32 $0x10;
	s22 =	simm.s32 $0xD520  }
0x10: {  	s18 =	sadd.s32 s4, s1;
	s4 =	sadd.s32 $0x15400, s1;
	s1 =	sadd.s32 $0x24000, s1  }
0x11: {  	[dreg:$0x9] =	wrdreg s0;
	s25 =	sadd.s32 $0xEA00, s23;
	s23 =	simm.s32 $0x8A20  }
0x12: {  	s0 =	simm.s32 $0x5;
	[dreg:$0x4] =	wrdreg s1;
	s1 =	ssub.s32 s7, s19  }
0x13: {  	s20 =	sadd.s32 $0x1A00, s18;
	s5 =	sadd.s32 $0xB640, s18;
	[dreg:$0xa] =	wrdreg s25  }
.Ltmp0:
0x14: {  	s18 =	simm.s32 $0x4E20;
	[dreg:$0x5] =	wrdreg s20;
	(pc) =	sbr.rel .LBB2_1-.Ltmp0, $4  }
0x15: {  	s7 =	simm.s32 $0xD;
	s25 =	simm.s32 $0xC;
	[dreg:$0x6] =	wrdreg s5  }
0x16: {  	s5 =	sadd.s32 s21, s2;
	s26 =	smax.u32 s1, $0x1;
	s21 =	simm.s32 $0x6C20  }
0x17: {  	s20 =	simm.s32 $0x7B20;
	s1 =	simm.s32 $0x0;
	[dreg:$0x7] =	wrdreg s5  }
0x18: {  	[dreg:$0xb] =	wrdreg s26;
	s5 =	simm.s32 $0xB;
	s26 =	simm.s32 $0xC620  }
.LBB2_4:
0x19: {  	s1 =	simm.s32 $0x1  }
0x1a: {  	_ =	swait.ge [sflag:s1], $0xF00  }
0x1b: {  	s18 =	simm.s32 $0x4E20;
	[sflag:s1] =	ssyncset.done $0x0  }
0x1c: {  	s20 =	simm.s32 $0x4C90;
	s23 =	simm.s32 $0x13;
	[sflag:s1] =	ssyncadd.s32 $0xFFFFF100  }
0x1d: {  	[spmem:s2] =	stream.indirect.scatter.add.f32 [tilespmem:s18], [sflag:$0xD], $0x30, s20, s15, $0xb8;
	[tilespmem:$0x17750] =	vst v63  }
0x1e: {  	_ =	swait.ge [sflag:s23], $0xF00  }
0x1f: {  	[sflag:s23] =	ssyncset.done $0x0  }
0x20: {  	s6 =	simm.s32 $0x2;
	[sflag:s23] =	ssyncadd.s32 $0xFFFFF100  }
0x21: {  	_ =	swait.ge [sflag:s6], $0xF00  }
0x22: {  	[sflag:s6] =	ssyncset.done $0x0  }
0x23: {  	s17 =	simm.s32 $0x4CE0;
	s19 =	simm.s32 $0x14;
	[sflag:s6] =	ssyncadd.s32 $0xFFFFF100  }
0x24: {  	[spmem:s2] =	stream.indirect.scatter.add.f32 [tilespmem:s30], [sflag:$0xE], $0x30, s17, s15, $0xb8;
	[tilespmem:$0x17750] =	vst v63  }
0x25: {  	_ =	swait.ge [sflag:s19], $0xF00  }
0x26: {  	[sflag:s19] =	ssyncset.done $0x0  }
0x27: {  	[sflag:s19] =	ssyncadd.s32 $0xFFFFF100  }
0x28: {  	_ =	swait.ge [sflag:s31], $0xF00  }
0x29: {  	[sflag:s31] =	ssyncset.done $0x0  }
0x2a: {  	s20 =	simm.s32 $0x4D30;
	s23 =	simm.s32 $0x15;
	[sflag:s31] =	ssyncadd.s32 $0xFFFFF100  }
0x2b: {  	[spmem:s2] =	stream.indirect.scatter.add.f32 [tilespmem:s21], [sflag:$0xF], $0x30, s20, s15, $0xb8;
	[tilespmem:$0x17750] =	vst v63  }
0x2c: {  	_ =	swait.ge [sflag:s23], $0xF00  }
0x2d: {  	[sflag:s23] =	ssyncset.done $0x0  }
0x2e: {  	[sflag:s23] =	ssyncadd.s32 $0xFFFFF100  }
0x2f: {  	_ =	swait.ge [sflag:s14], $0xF00  }
0x30: {  	s6 =	simm.s32 $0x4D80;
	[sflag:s14] =	ssyncset.done $0x0  }
0x31: {  	s17 =	simm.s32 $0x16;
	s20 =	simm.s32 $0x7B20;
	[sflag:s14] =	ssyncadd.s32 $0xFFFFF100  }
0x32: {  	[spmem:s2] =	stream.indirect.scatter.add.f32 [tilespmem:s20], [sflag:$0x10], $0x30, s6, s15, $0xb8;
	[tilespmem:$0x17750] =	vst v63  }
0x33: {  	_ =	swait.ge [sflag:s17], $0xF00  }
0x34: {  	[sflag:s17] =	ssyncset.done $0x0  }
0x35: {  	[sflag:s17] =	ssyncadd.s32 $0xFFFFF100  }
0x36: {  	_ =	swait.ge [sflag:s0], $0xF00  }
0x37: {  	s19 =	simm.s32 $0x4DD0;
	[sflag:s0] =	ssyncset.done $0x0  }
0x38: {  	s23 =	simm.s32 $0x8A20;
	s6 =	simm.s32 $0x17;
	[sflag:s0] =	ssyncadd.s32 $0xFFFFF100  }
0x39: {  	[spmem:s2] =	stream.indirect.scatter.add.f32 [tilespmem:s23], [sflag:$0x11], $0x30, s19, s15, $0xb8;
	[tilespmem:$0x17750] =	vst v63  }
0x3a: {  	_ =	swait.ge [sflag:s6], $0xF00  }
0x3b: {  	[sflag:s6] =	ssyncset.done $0x0  }
0x3c: {  	s17 =	simm.s32 $0x18;
	[sflag:s6] =	ssyncadd.s32 $0xFFFFF100  }
0x3d: {  	_ =	swait.ge [sflag:s17], $0xF00  }
0x3e: {  	[sflag:s17] =	ssyncset.done $0x0  }
0x3f: {  	[sflag:s17] =	ssyncadd.s32 $0xFFFFF100  }
0x40: {  	_ =	swait.ge [sflag:s7], $0xF00  }
0x41: {  	[sflag:s7] =	ssyncset.done $0x0  }
0x42: {  	[sflag:s7] =	ssyncadd.s32 $0xFFFFF100  }
0x43: {  	_ =	swait.ge [sflag:s9], $0xF00  }
0x44: {  	[sflag:s9] =	ssyncset.done $0x0  }
0x45: {  	[sflag:s9] =	ssyncadd.s32 $0xFFFFF100  }
0x46: {  	_ =	swait.ge [sflag:s11], $0xF00  }
0x47: {  	[sflag:s11] =	ssyncset.done $0x0  }
0x48: {  	[sflag:s11] =	ssyncadd.s32 $0xFFFFF100  }
0x49: {  	_ =	swait.ge [sflag:s3], $0xF00  }
0x4a: {  	[sflag:s3] =	ssyncset.done $0x0  }
0x4b: {  	[sflag:s3] =	ssyncadd.s32 $0xFFFFF100  }
0x4c: {  	_ =	swait.ge [sflag:s13], $0xF00  }
0x4d: {  	[sflag:s13] =	ssyncset.done $0x0  }
0x4e: {  	[sflag:s13] =	ssyncadd.s32 $0xFFFFF100  }
0x4f: {  	[bflag:$0x0] =	sbarrier.arrive $0xFFFF  }
0x50: {  	s17 =	rddreg [dreg:$0x9]  }
0x51: {  	s1 =	rddreg [dreg:$0xd]  }
0x52: {  	s28 =	simm.s32 $0x19;
	s6 =	rddreg [dreg:$0xe]  }
0x53: {  	[hbm:s17], [sflag:s1] =	dma.local [spmem:s6], $0xEA0  }
0x54: {  	_ =	swait.ge [sflag:s28], $0xEA0  }
0x55: {  	[sflag:s28] =	ssyncset.done $0x0;
	s17 =	rddreg [dreg:$0xa]  }
0x56: {  	s6 =	rddreg [dreg:$0xf];
	[sflag:s28] =	ssyncadd.s32 $0xFFFFF160  }
0x57: {  	[hbm:s17], [sflag:s1] =	dma.local @!p0 [spmem:s6], $0x60  }
0x58: {  	s17 =	simm.s32 @!p0 $0x19  }
0x59: {  	_ =	swait.ge @!p0 [sflag:s17], $0x60  }
0x5a: {  	s19 =	rddreg [dreg:$0xc]  }
0x5b: {  	s1 =	sadd.s32 $0x1, s19;
	s19 =	rddreg [dreg:$0xb]  }
0x5c: {  	p1 =	sne.s32 s1, s19  }
.Ltmp1:
0x5d: {  	_ = 	snop;
	(pc) =	sbr.rel @!p1 .LBB2_5-.Ltmp1, $3  }
0x5e: {  	_ =	sdelay $0x1  }
0x5f: {  	[sflag:s17] =	ssyncset.done @!p0 $0x0  }
0x60: {  	[sflag:s17] =	ssyncadd.s32 @!p0 $0xFFFFFFA0  }
.LBB2_1:
0x61: {  	[dreg:$0xc] =	wrdreg s1  }
0x62: {  	s1 =	simm.s32 $0x0;
	s19 =	rddreg [dreg:$0x5]  }
0x63: {  	[tilespmem:s1], [sflag:$0x19] =	stream.linear.gather [hbm4b:s19+s1], $0x2710, $0x38;
	[tilespmem:$0x17750] =	vst v63  }
0x64: {  	_ =	swait.ge [sflag:s28], $0x2710  }
0x65: {  	[sflag:s28] =	ssyncset.done $0x0  }
0x66: {  	s17 =	simm.s32 $0x2710;
	s6 =	rddreg [dreg:$0x6];
	[sflag:s28] =	ssyncadd.s32 $0xFFFFD8F0  }
0x67: {  	[tilespmem:s17], [sflag:$0x19] =	stream.linear.gather [hbm4b:s6+s1], $0x2710, $0x38;
	[tilespmem:$0x17750] =	vst v63  }
0x68: {  	_ =	swait.ge [sflag:s28], $0x2710  }
0x69: {  	[sflag:s28] =	ssyncset.done $0x0  }
0x6a: {  	[sflag:s28] =	ssyncadd.s32 $0xFFFFD8F0  }
0x6b: {  	[tilespmem:s18], [sflag:$0x1] =	stream.indirect.gather [hbm4b:s4+s15], $0x30, s1, s15, $0xb8;
	[tilespmem:$0x17750] =	vst v63  }
0x6c: {  	_ = 	snop  }
0x6d: {  	[tilespmem:s30], [sflag:$0x2] =	stream.indirect.gather [hbm4b:s4+s15], $0x30, s15, s15, $0xb8;
	[tilespmem:$0x17750] =	vst v63  }
0x6e: {  	s19 =	simm.s32 $0x140;
	s6 =	simm.s32 $0xA0;
	s30 =	rddreg [dreg:$0x7]  }
0x6f: {  	[tilespmem:s21], [sflag:$0x3] =	stream.indirect.gather [hbm4b:s4+s15], $0x30, s6, s15, $0xb8;
	[tilespmem:$0x17750] =	vst v63  }
0x70: {  	s18 =	simm.s32 $0xF0;
	s21 =	stileid.u32;
	s6 =	sshrl.u32 s30, $0x3  }
0x71: {  	[tilespmem:s20], [sflag:$0x4] =	stream.indirect.gather [hbm4b:s4+s15], $0x30, s18, s15, $0xb8;
	[tilespmem:$0x17750] =	vst v63  }
0x72: {  	s17 =	sshll.u32 s21, $0x6;
	[dreg:$0xe] =	wrdreg s6;
	s20 =	simm.s32 $0x190  }
0x73: {  	[tilespmem:s23], [sflag:$0x5] =	stream.indirect.gather [hbm4b:s4+s15], $0x30, s19, s15, $0xb8;
	[tilespmem:$0x17750] =	vst v63  }
0x74: {  	s1 =	sor.u32 $0x1C19, s17;
	s17 =	rddreg [dreg:$0x4];
	s23 =	simm.s32 $0x9920  }
0x75: {  	[tilespmem:s23], [sflag:$0x6] =	stream.indirect.gather [hbm4b:s4+s15], $0x30, s20, s15, $0xb8;
	[tilespmem:$0x17750] =	vst v63  }
0x76: {  	[spmem:s6], [sflag:s1] =	dma.local [hbm:s17], $0xEA0  }
0x77: {  	_ =	swait.ge [sflag:s28], $0xEA0  }
0x78: {  	s19 =	rddreg [dreg:$0x8]  }
0x79: {  	[dreg:$0xd] =	wrdreg s1;
	[sflag:s28] =	ssyncset.done $0x0;
	s6 =	sshrl.u32 @!p0 s19, $0x3  }
0x7a: {  	[sflag:s28] =	ssyncadd.s32 $0xFFFFF160;
	[dreg:$0xf] =	wrdreg s6  }
0x7b: {  	[spmem:s6], [sflag:s1] =	dma.local @!p0 [hbm:s17], $0x60  }
0x7c: {  	s17 =	simm.s32 @!p0 $0x19  }
0x7d: {  	_ =	swait.ge @!p0 [sflag:s17], $0x60  }
0x7e: {  	[sflag:s17] =	ssyncset.done @!p0 $0x0  }
0x7f: {  	[sflag:s17] =	ssyncadd.s32 @!p0 $0xFFFFFFA0  }
0x80: {  	s17 =	simm.s32 $0x0;
	[bflag:$0x0] =	sbarrier.arrive $0xFFFF  }
.LBB2_2:
0x81: {  	s1 =	simm.s32 $0x1  }
0x82: {  	_ =	swait.ge [sflag:s1], $0xF00  }
0x83: {  	s28 =	sshra.s32 s17, $0x2;
	s30 =	simm.s32 $0x4E20;
	[sflag:s1] =	ssyncset.done $0x0  }
0x84: {  	p1 =	seq.s32 s17, $0x0;
	s19 =	sadd.s32 $0x2710, s28;
	[sflag:s1] =	ssyncadd.s32 $0xFFFFF100  }
0x85: {  	[spmem:s2] =	stream.indirect.scatter.add.f32 [tilespmem:s30], [sflag:$0xD], $0x30, s19, s15, $0xb8;
	[tilespmem:$0x17750] =	vst v63  }
0x86: {  	s19 =	simm.s32 @!p1 $0x13  }
0x87: {  	_ =	swait.ge @!p1 [sflag:s19], $0xF00  }
0x88: {  	s20 =	simm.s32 $0xA820;
	[sflag:s19] =	ssyncset.done @!p1 $0x0  }
0x89: {  	s21 =	simm.s32 $0x2;
	s18 =	sadd.s32 $0x1E0, s28;
	[sflag:s19] =	ssyncadd.s32 @!p1 $0xFFFFF100  }
0x8a: {  	[tilespmem:s20], [sflag:$0x7] =	stream.indirect.gather [hbm4b:s4+s15], $0x30, s18, s15, $0xb8;
	[tilespmem:$0x17750] =	vst v63  }
0x8b: {  	_ =	swait.ge [sflag:s21], $0xF00  }
0x8c: {  	s1 =	sadd.s32 $0x2760, s28;
	[sflag:s21] =	ssyncset.done $0x0  }
0x8d: {  	s19 =	simm.s32 @!p1 $0x14;
	[sflag:s21] =	ssyncadd.s32 $0xFFFFF100;
	s21 =	simm.s32 $0x5D20  }
0x8e: {  	[spmem:s2] =	stream.indirect.scatter.add.f32 [tilespmem:s21], [sflag:$0xE], $0x30, s1, s15, $0xb8;
	[tilespmem:$0x17750] =	vst v63  }
0x8f: {  	_ =	swait.ge @!p1 [sflag:s19], $0xF00  }
0x90: {  	[sflag:s19] =	ssyncset.done @!p1 $0x0  }
0x91: {  	s6 =	sadd.s32 $0x230, s28;
	[sflag:s19] =	ssyncadd.s32 @!p1 $0xFFFFF100  }
0x92: {  	[tilespmem:s24], [sflag:$0x8] =	stream.indirect.gather [hbm4b:s4+s15], $0x30, s6, s15, $0xb8;
	[tilespmem:$0x17750] =	vst v63  }
0x93: {  	_ =	swait.ge [sflag:s31], $0xF00  }
0x94: {  	s18 =	sadd.s32 $0x27B0, s28;
	[sflag:s31] =	ssyncset.done $0x0  }
0x95: {  	s21 =	simm.s32 $0x6C20;
	s19 =	simm.s32 @!p1 $0x15;
	[sflag:s31] =	ssyncadd.s32 $0xFFFFF100  }
0x96: {  	[spmem:s2] =	stream.indirect.scatter.add.f32 [tilespmem:s21], [sflag:$0xF], $0x30, s18, s15, $0xb8;
	[tilespmem:$0x17750] =	vst v63  }
0x97: {  	_ =	swait.ge @!p1 [sflag:s19], $0xF00  }
0x98: {  	[sflag:s19] =	ssyncset.done @!p1 $0x0  }
0x99: {  	s1 =	sadd.s32 $0x280, s28;
	[sflag:s19] =	ssyncadd.s32 @!p1 $0xFFFFF100  }
0x9a: {  	[tilespmem:s26], [sflag:$0x9] =	stream.indirect.gather [hbm4b:s4+s15], $0x30, s1, s15, $0xb8;
	[tilespmem:$0x17750] =	vst v63  }
0x9b: {  	_ =	swait.ge [sflag:s14], $0xF00  }
0x9c: {  	s6 =	sadd.s32 $0x2800, s28;
	[sflag:s14] =	ssyncset.done $0x0  }
0x9d: {  	s19 =	simm.s32 @!p1 $0x16;
	s1 =	simm.s32 $0x7B20;
	[sflag:s14] =	ssyncadd.s32 $0xFFFFF100  }
0x9e: {  	[spmem:s2] =	stream.indirect.scatter.add.f32 [tilespmem:s1], [sflag:$0x10], $0x30, s6, s15, $0xb8;
	[tilespmem:$0x17750] =	vst v63  }
0x9f: {  	_ =	swait.ge @!p1 [sflag:s19], $0xF00  }
0xa0: {  	[sflag:s19] =	ssyncset.done @!p1 $0x0  }
0xa1: {  	s18 =	sadd.s32 $0x2D0, s28;
	[sflag:s19] =	ssyncadd.s32 @!p1 $0xFFFFF100  }
0xa2: {  	[tilespmem:s22], [sflag:$0xA] =	stream.indirect.gather [hbm4b:s4+s15], $0x30, s18, s15, $0xb8;
	[tilespmem:$0x17750] =	vst v63  }
0xa3: {  	_ =	swait.ge [sflag:s0], $0xF00  }
0xa4: {  	s6 =	sadd.s32 $0x2850, s28;
	[sflag:s0] =	ssyncset.done $0x0  }
0xa5: {  	s19 =	simm.s32 @!p1 $0x17;
	s18 =	simm.s32 $0x8A20;
	[sflag:s0] =	ssyncadd.s32 $0xFFFFF100  }
0xa6: {  	[spmem:s2] =	stream.indirect.scatter.add.f32 [tilespmem:s18], [sflag:$0x11], $0x30, s6, s15, $0xb8;
	[tilespmem:$0x17750] =	vst v63  }
0xa7: {  	_ =	swait.ge @!p1 [sflag:s19], $0xF00  }
0xa8: {  	[sflag:s19] =	ssyncset.done @!p1 $0x0  }
0xa9: {  	s6 =	sadd.s32 $0x320, s28;
	[sflag:s19] =	ssyncadd.s32 @!p1 $0xFFFFF100  }
0xaa: {  	[tilespmem:s29], [sflag:$0xB] =	stream.indirect.gather [hbm4b:s4+s15], $0x30, s6, s15, $0xb8;
	[tilespmem:$0x17750] =	vst v63  }
0xab: {  	s6 =	simm.s32 $0x6  }
0xac: {  	_ =	swait.ge [sflag:s6], $0xF00  }
0xad: {  	[sflag:s6] =	ssyncset.done $0x0  }
0xae: {  	s19 =	simm.s32 @!p1 $0x18;
	[sflag:s6] =	ssyncadd.s32 $0xFFFFF100;
	s6 =	sadd.s32 $0x28A0, s28  }
0xaf: {  	[spmem:s2] =	stream.indirect.scatter.add.f32 [tilespmem:s23], [sflag:$0x12], $0x30, s6, s15, $0xb8;
	[tilespmem:$0x17750] =	vst v63  }
0xb0: {  	_ =	swait.ge @!p1 [sflag:s19], $0xF00  }
0xb1: {  	[sflag:s19] =	ssyncset.done @!p1 $0x0  }
0xb2: {  	s6 =	simm.s32 $0xF320;
	[sflag:s19] =	ssyncadd.s32 @!p1 $0xFFFFF100;
	s19 =	sadd.s32 $0x370, s28  }
0xb3: {  	[tilespmem:s6], [sflag:$0xC] =	stream.indirect.gather [hbm4b:s4+s15], $0x30, s19, s15, $0xb8;
	[tilespmem:$0x17750] =	vst v63  }
0xb4: {  	s19 =	simm.s32 $0x7  }
0xb5: {  	_ =	swait.ge [sflag:s19], $0xF00  }
0xb6: {  	[sflag:s19] =	ssyncset.done $0x0  }
0xb7: {  	[sflag:s19] =	ssyncadd.s32 $0xFFFFF100;
	s19 =	sadd.s32 $0x28F0, s28  }
0xb8: {  	[spmem:s2] =	stream.indirect.scatter.add.f32 [tilespmem:s20], [sflag:$0x13], $0x30, s19, s15, $0xb8;
	[tilespmem:$0x17750] =	vst v63  }
0xb9: {  	_ =	swait.ge [sflag:s7], $0xF00  }
0xba: {  	[sflag:s7] =	ssyncset.done $0x0  }
0xbb: {  	s20 =	sadd.s32 $0x3C0, s28;
	[sflag:s7] =	ssyncadd.s32 $0xFFFFF100  }
0xbc: {  	[tilespmem:s30], [sflag:$0x1] =	stream.indirect.gather [hbm4b:s4+s15], $0x30, s20, s15, $0xb8;
	[tilespmem:$0x17750] =	vst v63  }
0xbd: {  	_ =	swait.ge [sflag:s8], $0xF00  }
0xbe: {  	[sflag:s8] =	ssyncset.done $0x0  }
0xbf: {  	s20 =	sadd.s32 $0x2940, s28;
	[sflag:s8] =	ssyncadd.s32 $0xFFFFF100  }
0xc0: {  	[spmem:s2] =	stream.indirect.scatter.add.f32 [tilespmem:s24], [sflag:$0x14], $0x30, s20, s15, $0xb8;
	[tilespmem:$0x17750] =	vst v63  }
0xc1: {  	_ =	swait.ge [sflag:s9], $0xF00  }
0xc2: {  	[sflag:s9] =	ssyncset.done $0x0  }
0xc3: {  	s30 =	simm.s32 $0x5D20;
	s20 =	sadd.s32 $0x410, s28;
	[sflag:s9] =	ssyncadd.s32 $0xFFFFF100  }
0xc4: {  	[tilespmem:s30], [sflag:$0x2] =	stream.indirect.gather [hbm4b:s4+s15], $0x30, s20, s15, $0xb8;
	[tilespmem:$0x17750] =	vst v63  }
0xc5: {  	_ =	swait.ge [sflag:s10], $0xF00  }
0xc6: {  	[sflag:s10] =	ssyncset.done $0x0  }
0xc7: {  	s20 =	sadd.s32 $0x2990, s28;
	[sflag:s10] =	ssyncadd.s32 $0xFFFFF100  }
0xc8: {  	[spmem:s2] =	stream.indirect.scatter.add.f32 [tilespmem:s26], [sflag:$0x15], $0x30, s20, s15, $0xb8;
	[tilespmem:$0x17750] =	vst v63  }
0xc9: {  	_ =	swait.ge [sflag:s11], $0xF00  }
0xca: {  	[sflag:s11] =	ssyncset.done $0x0  }
0xcb: {  	s20 =	sadd.s32 $0x460, s28;
	[sflag:s11] =	ssyncadd.s32 $0xFFFFF100  }
0xcc: {  	[tilespmem:s21], [sflag:$0x3] =	stream.indirect.gather [hbm4b:s4+s15], $0x30, s20, s15, $0xb8;
	[tilespmem:$0x17750] =	vst v63  }
0xcd: {  	_ =	swait.ge [sflag:s12], $0xF00  }
0xce: {  	[sflag:s12] =	ssyncset.done $0x0  }
0xcf: {  	s20 =	sadd.s32 $0x29E0, s28;
	[sflag:s12] =	ssyncadd.s32 $0xFFFFF100  }
0xd0: {  	[spmem:s2] =	stream.indirect.scatter.add.f32 [tilespmem:s22], [sflag:$0x16], $0x30, s20, s15, $0xb8;
	[tilespmem:$0x17750] =	vst v63  }
0xd1: {  	_ =	swait.ge [sflag:s3], $0xF00  }
0xd2: {  	[sflag:s3] =	ssyncset.done $0x0  }
0xd3: {  	s20 =	sadd.s32 $0x4B0, s28;
	[sflag:s3] =	ssyncadd.s32 $0xFFFFF100  }
0xd4: {  	[tilespmem:s1], [sflag:$0x4] =	stream.indirect.gather [hbm4b:s4+s15], $0x30, s20, s15, $0xb8;
	[tilespmem:$0x17750] =	vst v63  }
0xd5: {  	_ =	swait.ge [sflag:s5], $0xF00  }
0xd6: {  	[sflag:s5] =	ssyncset.done $0x0  }
0xd7: {  	s20 =	sadd.s32 $0x2A30, s28;
	[sflag:s5] =	ssyncadd.s32 $0xFFFFF100  }
0xd8: {  	[spmem:s2] =	stream.indirect.scatter.add.f32 [tilespmem:s29], [sflag:$0x17], $0x30, s20, s15, $0xb8;
	[tilespmem:$0x17750] =	vst v63  }
0xd9: {  	_ =	swait.ge [sflag:s13], $0xF00  }
0xda: {  	[sflag:s13] =	ssyncset.done $0x0  }
0xdb: {  	s1 =	sadd.s32 $0x500, s28;
	[sflag:s13] =	ssyncadd.s32 $0xFFFFF100  }
0xdc: {  	[tilespmem:s18], [sflag:$0x5] =	stream.indirect.gather [hbm4b:s4+s15], $0x30, s1, s15, $0xb8;
	[tilespmem:$0x17750] =	vst v63  }
0xdd: {  	_ =	swait.ge [sflag:s25], $0xF00  }
0xde: {  	p1 =	seq.s32 s17, $0x8700;
	[sflag:s25] =	ssyncset.done $0x0  }
.Ltmp2:
0xdf: {  	s20 =	sadd.s32 $0x2A80, s28;
	[sflag:s25] =	ssyncadd.s32 $0xFFFFF100;
	(pc) =	sbr.rel @p1 .LBB2_4-.Ltmp2, $4  }
0xe0: {  	[spmem:s2] =	stream.indirect.scatter.add.f32 [tilespmem:s6], [sflag:$0x18], $0x30, s20, s15, $0xb8;
	[tilespmem:$0x17750] =	vst v63  }
0xe1: {  	_ =	swait.ge [sflag:s16], $0xF00  }
0xe2: {  	[sflag:s16] =	ssyncset.done $0x0  }
0xe3: {  	[sflag:s16] =	ssyncadd.s32 $0xFFFFF100  }
.Ltmp3:
0xe4: {  	(pc) =	sbr.rel .LBB2_2-.Ltmp3, $3  }
0xe5: {  	_ =	sdelay $0x1  }
0xe6: {  	s19 =	sadd.s32 $0x550, s28;
	s17 =	sadd.s32 $0xF00, s17  }
0xe7: {  	[tilespmem:s23], [sflag:$0x6] =	stream.indirect.gather [hbm4b:s4+s15], $0x30, s19, s15, $0xb8;
	[tilespmem:$0x17750] =	vst v63  }
.LBB2_5:
0xe8: {  	_ =	sfence.sel $0x180000  }
0xe9: {  	[bflag:$0x0] =	sbarrier.arrive $0xFFFF  }
0xea: {  	_ =	strace $0x90000047  }
0xeb: {  	s0 =	stileid.u32;
	[bflag:$0x2] =	sbarrier.arrive $0xFFFF  }
0xec: {  	p0 =	sne.s32 s0, $0x0;
	s0 =	rddreg [dreg:$0x3]  }
0xed: {  	s0 =	sadd.s32 @!p0 $0x100000, s0  }
0xee: {  	[sflag:s0] =	ssyncadd.tile.s32 @!p0 $0x1;
	_ =	shalt  }
.Lfunc_end2:
_tile_overlayer_lowered:
.L_overlay_start_2:
0xef: {  	(tag) =	ssettag $0x2  }
0xf0: {  	s0 =	rddreg [dreg:$0x0];
	s2 =	stileid.u32  }
0xf1: {  	s1 =	rddreg [dreg:$0x1];
	p0 =	sne.s32 s2, $0x0  }
0xf2: {  	s3 =	rddreg [dreg:$0x2];
	[bflag:$0x3] =	sbarrier.arrive $0xFFFF;
	s2 =	simm.s32 @!p0 $0x1C19  }
0xf3: {  	[timem:s3], [sflag:s2] =	dma.local @!p0 [hbm:s0], s1  }
0xf4: {  	s0 =	simm.s32 @!p0 $0x19  }
0xf5: {  	_ =	swait.ge @!p0 [sflag:s0], s1  }
0xf6: {  	s1 =	ssub.s32 @!p0 $0x0, s1;
	[sflag:s0] =	ssyncset.done @!p0 $0x0  }
0xf7: {  	[sflag:s0] =	ssyncadd.s32 @!p0 s1  }
0xf8: {  	[bflag:$0x3] =	sbarrier.arrive $0xFFFF  }
0xf9: {  	_ =	shalt  }

</sc_bundles>
